<compile_context>
chip_gen: v7x
topology: tpu7x:2x2x1
jax: 0.10.2.dev20260603
libtpu: 0.0.44.dev20260713+nightly
codegen_flags: <defaults>
</compile_context>

<pallas_src>
import functools

import jax
import jax.numpy as jnp
from jax import lax
from jax.experimental import pallas as pl
from jax.experimental.pallas import tpu as pltpu
from jax.experimental.pallas import tpu_sc as plsc

D_MODEL = 128
BATCH = 4096
HIST = 50

NC = 2
NS = 16
NW = NC * NS

B_PER_TILE = BATCH // NW
GROUP = 2
NBUF = 4
NGROUP = B_PER_TILE // GROUP
TABLE_ROWS = 367

_mesh = plsc.VectorSubcoreMesh(core_axis_name="c", subcore_axis_name="s")


@functools.partial(
    pl.kernel,
    mesh=_mesh,
    out_type=jax.ShapeDtypeStruct((BATCH, HIST, D_MODEL), jnp.float32),
    scratch_types=[
        pltpu.VMEM((B_PER_TILE, HIST), jnp.int32),
        pltpu.VMEM((NBUF, GROUP, HIST, D_MODEL), jnp.float32),
        pltpu.VMEM_SHARED((TABLE_ROWS, D_MODEL), jnp.float32),
        pltpu.SemaphoreType.DMA((NBUF,)),
        pltpu.SemaphoreType.DMA((NBUF,)),
    ],
)
def _pe_gather(table_hbm, idx_hbm, out_hbm, idx_v, rows_v, table_v, sem_g,
               sem_s):
    wid = lax.axis_index("s") * NC + lax.axis_index("c")
    base = wid * B_PER_TILE
    @pl.when(lax.axis_index("s") == 0)
    def _():
        pltpu.sync_copy(table_hbm, table_v)

    plsc.subcore_barrier()
    pltpu.sync_copy(idx_hbm.at[pl.ds(base, B_PER_TILE)], idx_v)

    def gather_group(g, buf):
        for r in range(GROUP):
            pltpu.async_copy(
                table_v.at[idx_v.at[g * GROUP + r]], rows_v.at[buf, r],
                sem_g.at[buf])

    def drain_group(g, buf):
        for r in range(GROUP):
            pltpu.make_async_copy(
                table_v.at[idx_v.at[g * GROUP + r]], rows_v.at[buf, r],
                sem_g.at[buf]).wait()

    def store_group(g, buf):
        pltpu.async_copy(
            rows_v.at[buf], out_hbm.at[pl.ds(base + g * GROUP, GROUP)],
            sem_s.at[buf])

    def store_wait(buf):
        pltpu.make_async_copy(
            rows_v.at[buf], out_hbm.at[pl.ds(base, GROUP)],
            sem_s.at[buf]).wait()

    for b in range(NBUF):
        gather_group(b, b)

    def body(i, carry):
        g0 = i * NBUF
        for b in range(NBUF):
            drain_group(g0 + b, b)
            store_group(g0 + b, b)
        for b in range(NBUF):
            @pl.when(g0 + NBUF + b < NGROUP)
            def _():
                store_wait(b)
                gather_group(g0 + NBUF + b, b)

        return carry

    lax.fori_loop(0, NGROUP // NBUF, body, 0)
    for b in range(NBUF):
        store_wait(b)


def kernel(doy, pe):
    return _pe_gather(pe, doy)

# --- scband reference (transcript-rebuilt; emitter-appended) ---
"""Pipeline reference for scband-positional-encoding-64226940944418 (READ-ONLY COPY).

The authoritative reference and input builder live on the scoring server;
editing this copy changes nothing except your own understanding.
"""

import jax, jax.numpy as jnp
import numpy as np
import math

D_MODEL = 128
MAX_LEN = 366
BATCH = 4096
HIST = 50


def _make_pe(d_model=D_MODEL, max_len=MAX_LEN):
    pe = np.zeros((max_len + 1, d_model), dtype=np.float32)
    position = np.arange(0, max_len, dtype=np.float32)[:, None]
    div_term = np.exp(np.arange(0, d_model, 2, dtype=np.float32) * -(math.log(10000.0) / d_model))
    pe[1:, 0::2] = np.sin(position * div_term)
    pe[1:, 1::2] = np.cos(position * div_term)
    return jnp.asarray(pe)


def setup_inputs(seed: int = 0) -> dict:
    key = jax.random.key(seed)
    k_doy, = jax.random.split(key, 1)
    doy = jax.random.randint(k_doy, (BATCH, HIST), 0, MAX_LEN + 1, dtype=jnp.int32)
    pe = _make_pe()
    return {"doy": doy, "pe": pe}


def reference(doy, pe):
    # faithful translation of: return self.pe[doy, :]
    return jnp.take(pe, doy, axis=0)

if __name__ == "__main__":
    import jax
    _d = setup_inputs()
    print(jax.jit(kernel)(*tuple(_d.values())))

</pallas_src>

<mosaic_0001>
#map = affine_map<(d0, d1) -> (0, 0)>
#map1 = affine_map<(d0, d1) -> (0, 0, 0)>
module attributes {stable_mosaic.version = 14 : i64} {
  func.func @_pe_gather(%arg0: i32, %arg1: i32, %arg2: memref<367x128xf32, #tpu.memory_space<hbm>>, %arg3: memref<4096x50xi32, #tpu.memory_space<hbm>>, %arg4: memref<4096x50x128xf32, #tpu.memory_space<hbm>>, %arg5: memref<128x50xi32, #tpu.memory_space<vmem>>, %arg6: memref<4x2x50x128xf32, #tpu.memory_space<vmem>>, %arg7: memref<367x128xf32, #tpu.memory_space<vmem_shared>>, %arg8: memref<4x!tpu.dma_semaphore, #tpu.memory_space<semaphore_mem>>, %arg9: memref<4x!tpu.dma_semaphore, #tpu.memory_space<semaphore_mem>>) attributes {dimension_semantics = [#tpu.dimension_semantics<core_parallel>, #tpu.dimension_semantics<subcore_parallel>], iteration_bounds = array<i64: 2, 16>, scalar_prefetch = 0 : i64, scratch_operands = 5 : i64, tpu.core_type = #tpu.core_type<sc_vector_subcore>, window_params = [{transform_indices = #map}, {transform_indices = #map}, {transform_indices = #map1}]} {
    %mul3A = arith.constant 2 : i32
    %mul3A_0 = arith.muli %arg1, %mul3A : i32
    %add3A = arith.addi %mul3A_0, %arg0 : i32
    %mul3A_1 = arith.constant 128 : i32
    %mul3A_2 = arith.muli %add3A, %mul3A_1 : i32
    %eq3A = arith.constant 0 : i32
    %eq3A_3 = arith.cmpi eq, %arg1, %eq3A : i32
    %convert_element_type3A = arith.extui %eq3A_3 : i1 to i32
    %cond3A = arith.constant 0 : i32
    %cond3A_4 = arith.cmpi ne, %convert_element_type3A, %cond3A : i32
    scf.if %cond3A_4 {
      "tpu.region"() ({
        %run_scoped3A = tpu.sem_alloc : memref<!tpu.dma_semaphore, #tpu.memory_space<semaphore_mem>>
        tpu.enqueue_dma source(%arg2 : memref<367x128xf32, #tpu.memory_space<hbm>>) target(%arg7 : memref<367x128xf32, #tpu.memory_space<vmem_shared>>) target_semaphore(%run_scoped3A : memref<!tpu.dma_semaphore, #tpu.memory_space<semaphore_mem>>)
        tpu.wait_dma2 semaphore(%run_scoped3A : memref<!tpu.dma_semaphore, #tpu.memory_space<semaphore_mem>>) src(%arg2 : memref<367x128xf32, #tpu.memory_space<hbm>>) dst(%arg7 : memref<367x128xf32, #tpu.memory_space<vmem_shared>>)
        tpu.yield
      }) : () -> ()
    } else {
    }
    %barrier3A = arith.constant 0 : index
    tpu.barrier barrier_id(%barrier3A)
    "tpu.region"() ({
      %run_scoped3A = tpu.sem_alloc : memref<!tpu.dma_semaphore, #tpu.memory_space<semaphore_mem>>
      %dma_start3A_216 = arith.constant 0 : i32
      %dma_start3A_217 = tpu.memref_slice %arg3[%mul3A_2, %dma_start3A_216] : memref<4096x50xi32, #tpu.memory_space<hbm>> -> memref<128x50xi32, #tpu.memory_space<hbm>>
      %dma_start3A_218 = arith.constant 0 : i32
      %dma_start3A_219 = tpu.memref_slice %arg3[%mul3A_2, %dma_start3A_218] : memref<4096x50xi32, #tpu.memory_space<hbm>> -> memref<128x50xi32, #tpu.memory_space<hbm>>
      tpu.enqueue_dma source(%dma_start3A_219 : memref<128x50xi32, #tpu.memory_space<hbm>>) target(%arg5 : memref<128x50xi32, #tpu.memory_space<vmem>>) target_semaphore(%run_scoped3A : memref<!tpu.dma_semaphore, #tpu.memory_space<semaphore_mem>>)
      %dma_wait3A_220 = arith.constant 0 : i32
      %dma_wait3A_221 = tpu.memref_slice %arg3[%mul3A_2, %dma_wait3A_220] : memref<4096x50xi32, #tpu.memory_space<hbm>> -> memref<128x50xi32, #tpu.memory_space<hbm>>
      %dma_wait3A_222 = arith.constant 0 : i32
      %dma_wait3A_223 = tpu.memref_slice %arg3[%mul3A_2, %dma_wait3A_222] : memref<4096x50xi32, #tpu.memory_space<hbm>> -> memref<128x50xi32, #tpu.memory_space<hbm>>
      tpu.wait_dma2 semaphore(%run_scoped3A : memref<!tpu.dma_semaphore, #tpu.memory_space<semaphore_mem>>) src(%dma_wait3A_223 : memref<128x50xi32, #tpu.memory_space<hbm>>) dst(%arg5 : memref<128x50xi32, #tpu.memory_space<vmem>>)
      tpu.yield
    }) : () -> ()
    %dma_start3A = arith.constant 0 : i32
    %dma_start3A_5 = arith.constant 0 : i32
    %dma_start3A_6 = arith.constant 0 : i32
    %dma_start3A_7 = arith.constant 0 : i32
    %dma_start3A_8 = arith.constant 0 : i32
    %dma_start3A_9 = arith.constant 0 : i32
    %dma_start3A_10 = tpu.memref_slice %arg6[%dma_start3A_5, %dma_start3A_6, %dma_start3A_8, %dma_start3A_9] : memref<4x2x50x128xf32, #tpu.memory_space<vmem>> -> memref<1x1x50x128xf32, #tpu.memory_space<vmem>>
    %dma_start3A_11 = tpu.memref_squeeze %dma_start3A_10 : memref<1x1x50x128xf32, #tpu.memory_space<vmem>> -> memref<50x128xf32, #tpu.memory_space<vmem>>
    %dma_start3A_12 = arith.constant 0 : i32
    %dma_start3A_13 = tpu.memref_slice %arg5[%dma_start3A, %dma_start3A_12] : memref<128x50xi32, #tpu.memory_space<vmem>> -> memref<1x50xi32, #tpu.memory_space<vmem>>
    %dma_start3A_14 = tpu.memref_squeeze %dma_start3A_13 : memref<1x50xi32, #tpu.memory_space<vmem>> -> memref<50xi32, #tpu.memory_space<vmem>>
    %dma_start3A_15 = arith.constant 0 : i32
    %dma_start3A_16 = arith.constant 0 : i32
    %dma_start3A_17 = tpu.memref_slice %arg7[%dma_start3A_15, %dma_start3A_16] : memref<367x128xf32, #tpu.memory_space<vmem_shared>> -> memref<367x128xf32, #tpu.memory_space<vmem_shared>>
    %dma_start3A_18 = tpu.memref_slice %arg8[%dma_start3A_7] : memref<4x!tpu.dma_semaphore, #tpu.memory_space<semaphore_mem>> -> memref<1x!tpu.dma_semaphore, #tpu.memory_space<semaphore_mem>>
    %dma_start3A_19 = tpu.memref_squeeze %dma_start3A_18 : memref<1x!tpu.dma_semaphore, #tpu.memory_space<semaphore_mem>> -> memref<!tpu.dma_semaphore, #tpu.memory_space<semaphore_mem>>
    tpu.enqueue_indirect_dma source(%dma_start3A_17 : memref<367x128xf32, #tpu.memory_space<vmem_shared>>) target(%dma_start3A_11 : memref<50x128xf32, #tpu.memory_space<vmem>>) offsets(%dma_start3A_14 : memref<50xi32, #tpu.memory_space<vmem>>) semaphore(%dma_start3A_19 : memref<!tpu.dma_semaphore, #tpu.memory_space<semaphore_mem>>)
    %dma_start3A_20 = arith.constant 1 : i32
    %dma_start3A_21 = arith.constant 0 : i32
    %dma_start3A_22 = arith.constant 1 : i32
    %dma_start3A_23 = arith.constant 0 : i32
    %dma_start3A_24 = arith.constant 0 : i32
    %dma_start3A_25 = arith.constant 0 : i32
    %dma_start3A_26 = tpu.memref_slice %arg6[%dma_start3A_21, %dma_start3A_22, %dma_start3A_24, %dma_start3A_25] : memref<4x2x50x128xf32, #tpu.memory_space<vmem>> -> memref<1x1x50x128xf32, #tpu.memory_space<vmem>>
    %dma_start3A_27 = tpu.memref_squeeze %dma_start3A_26 : memref<1x1x50x128xf32, #tpu.memory_space<vmem>> -> memref<50x128xf32, #tpu.memory_space<vmem>>
    %dma_start3A_28 = arith.constant 0 : i32
    %dma_start3A_29 = tpu.memref_slice %arg5[%dma_start3A_20, %dma_start3A_28] : memref<128x50xi32, #tpu.memory_space<vmem>> -> memref<1x50xi32, #tpu.memory_space<vmem>>
    %dma_start3A_30 = tpu.memref_squeeze %dma_start3A_29 : memref<1x50xi32, #tpu.memory_space<vmem>> -> memref<50xi32, #tpu.memory_space<vmem>>
    %dma_start3A_31 = arith.constant 0 : i32
    %dma_start3A_32 = arith.constant 0 : i32
    %dma_start3A_33 = tpu.memref_slice %arg7[%dma_start3A_31, %dma_start3A_32] : memref<367x128xf32, #tpu.memory_space<vmem_shared>> -> memref<367x128xf32, #tpu.memory_space<vmem_shared>>
    %dma_start3A_34 = tpu.memref_slice %arg8[%dma_start3A_23] : memref<4x!tpu.dma_semaphore, #tpu.memory_space<semaphore_mem>> -> memref<1x!tpu.dma_semaphore, #tpu.memory_space<semaphore_mem>>
    %dma_start3A_35 = tpu.memref_squeeze %dma_start3A_34 : memref<1x!tpu.dma_semaphore, #tpu.memory_space<semaphore_mem>> -> memref<!tpu.dma_semaphore, #tpu.memory_space<semaphore_mem>>
    tpu.enqueue_indirect_dma source(%dma_start3A_33 : memref<367x128xf32, #tpu.memory_space<vmem_shared>>) target(%dma_start3A_27 : memref<50x128xf32, #tpu.memory_space<vmem>>) offsets(%dma_start3A_30 : memref<50xi32, #tpu.memory_space<vmem>>) semaphore(%dma_start3A_35 : memref<!tpu.dma_semaphore, #tpu.memory_space<semaphore_mem>>)
    %dma_start3A_36 = arith.constant 2 : i32
    %dma_start3A_37 = arith.constant 1 : i32
    %dma_start3A_38 = arith.constant 0 : i32
    %dma_start3A_39 = arith.constant 1 : i32
    %dma_start3A_40 = arith.constant 0 : i32
    %dma_start3A_41 = arith.constant 0 : i32
    %dma_start3A_42 = tpu.memref_slice %arg6[%dma_start3A_37, %dma_start3A_38, %dma_start3A_40, %dma_start3A_41] : memref<4x2x50x128xf32, #tpu.memory_space<vmem>> -> memref<1x1x50x128xf32, #tpu.memory_space<vmem>>
    %dma_start3A_43 = tpu.memref_squeeze %dma_start3A_42 : memref<1x1x50x128xf32, #tpu.memory_space<vmem>> -> memref<50x128xf32, #tpu.memory_space<vmem>>
    %dma_start3A_44 = arith.constant 0 : i32
    %dma_start3A_45 = tpu.memref_slice %arg5[%dma_start3A_36, %dma_start3A_44] : memref<128x50xi32, #tpu.memory_space<vmem>> -> memref<1x50xi32, #tpu.memory_space<vmem>>
    %dma_start3A_46 = tpu.memref_squeeze %dma_start3A_45 : memref<1x50xi32, #tpu.memory_space<vmem>> -> memref<50xi32, #tpu.memory_space<vmem>>
    %dma_start3A_47 = arith.constant 0 : i32
    %dma_start3A_48 = arith.constant 0 : i32
    %dma_start3A_49 = tpu.memref_slice %arg7[%dma_start3A_47, %dma_start3A_48] : memref<367x128xf32, #tpu.memory_space<vmem_shared>> -> memref<367x128xf32, #tpu.memory_space<vmem_shared>>
    %dma_start3A_50 = tpu.memref_slice %arg8[%dma_start3A_39] : memref<4x!tpu.dma_semaphore, #tpu.memory_space<semaphore_mem>> -> memref<1x!tpu.dma_semaphore, #tpu.memory_space<semaphore_mem>>
    %dma_start3A_51 = tpu.memref_squeeze %dma_start3A_50 : memref<1x!tpu.dma_semaphore, #tpu.memory_space<semaphore_mem>> -> memref<!tpu.dma_semaphore, #tpu.memory_space<semaphore_mem>>
    tpu.enqueue_indirect_dma source(%dma_start3A_49 : memref<367x128xf32, #tpu.memory_space<vmem_shared>>) target(%dma_start3A_43 : memref<50x128xf32, #tpu.memory_space<vmem>>) offsets(%dma_start3A_46 : memref<50xi32, #tpu.memory_space<vmem>>) semaphore(%dma_start3A_51 : memref<!tpu.dma_semaphore, #tpu.memory_space<semaphore_mem>>)
    %dma_start3A_52 = arith.constant 3 : i32
    %dma_start3A_53 = arith.constant 1 : i32
    %dma_start3A_54 = arith.constant 1 : i32
    %dma_start3A_55 = arith.constant 1 : i32
    %dma_start3A_56 = arith.constant 0 : i32
    %dma_start3A_57 = arith.constant 0 : i32
    %dma_start3A_58 = tpu.memref_slice %arg6[%dma_start3A_53, %dma_start3A_54, %dma_start3A_56, %dma_start3A_57] : memref<4x2x50x128xf32, #tpu.memory_space<vmem>> -> memref<1x1x50x128xf32, #tpu.memory_space<vmem>>
    %dma_start3A_59 = tpu.memref_squeeze %dma_start3A_58 : memref<1x1x50x128xf32, #tpu.memory_space<vmem>> -> memref<50x128xf32, #tpu.memory_space<vmem>>
    %dma_start3A_60 = arith.constant 0 : i32
    %dma_start3A_61 = tpu.memref_slice %arg5[%dma_start3A_52, %dma_start3A_60] : memref<128x50xi32, #tpu.memory_space<vmem>> -> memref<1x50xi32, #tpu.memory_space<vmem>>
    %dma_start3A_62 = tpu.memref_squeeze %dma_start3A_61 : memref<1x50xi32, #tpu.memory_space<vmem>> -> memref<50xi32, #tpu.memory_space<vmem>>
    %dma_start3A_63 = arith.constant 0 : i32
    %dma_start3A_64 = arith.constant 0 : i32
    %dma_start3A_65 = tpu.memref_slice %arg7[%dma_start3A_63, %dma_start3A_64] : memref<367x128xf32, #tpu.memory_space<vmem_shared>> -> memref<367x128xf32, #tpu.memory_space<vmem_shared>>
    %dma_start3A_66 = tpu.memref_slice %arg8[%dma_start3A_55] : memref<4x!tpu.dma_semaphore, #tpu.memory_space<semaphore_mem>> -> memref<1x!tpu.dma_semaphore, #tpu.memory_space<semaphore_mem>>
    %dma_start3A_67 = tpu.memref_squeeze %dma_start3A_66 : memref<1x!tpu.dma_semaphore, #tpu.memory_space<semaphore_mem>> -> memref<!tpu.dma_semaphore, #tpu.memory_space<semaphore_mem>>
    tpu.enqueue_indirect_dma source(%dma_start3A_65 : memref<367x128xf32, #tpu.memory_space<vmem_shared>>) target(%dma_start3A_59 : memref<50x128xf32, #tpu.memory_space<vmem>>) offsets(%dma_start3A_62 : memref<50xi32, #tpu.memory_space<vmem>>) semaphore(%dma_start3A_67 : memref<!tpu.dma_semaphore, #tpu.memory_space<semaphore_mem>>)
    %dma_start3A_68 = arith.constant 4 : i32
    %dma_start3A_69 = arith.constant 2 : i32
    %dma_start3A_70 = arith.constant 0 : i32
    %dma_start3A_71 = arith.constant 2 : i32
    %dma_start3A_72 = arith.constant 0 : i32
    %dma_start3A_73 = arith.constant 0 : i32
    %dma_start3A_74 = tpu.memref_slice %arg6[%dma_start3A_69, %dma_start3A_70, %dma_start3A_72, %dma_start3A_73] : memref<4x2x50x128xf32, #tpu.memory_space<vmem>> -> memref<1x1x50x128xf32, #tpu.memory_space<vmem>>
    %dma_start3A_75 = tpu.memref_squeeze %dma_start3A_74 : memref<1x1x50x128xf32, #tpu.memory_space<vmem>> -> memref<50x128xf32, #tpu.memory_space<vmem>>
    %dma_start3A_76 = arith.constant 0 : i32
    %dma_start3A_77 = tpu.memref_slice %arg5[%dma_start3A_68, %dma_start3A_76] : memref<128x50xi32, #tpu.memory_space<vmem>> -> memref<1x50xi32, #tpu.memory_space<vmem>>
    %dma_start3A_78 = tpu.memref_squeeze %dma_start3A_77 : memref<1x50xi32, #tpu.memory_space<vmem>> -> memref<50xi32, #tpu.memory_space<vmem>>
    %dma_start3A_79 = arith.constant 0 : i32
    %dma_start3A_80 = arith.constant 0 : i32
    %dma_start3A_81 = tpu.memref_slice %arg7[%dma_start3A_79, %dma_start3A_80] : memref<367x128xf32, #tpu.memory_space<vmem_shared>> -> memref<367x128xf32, #tpu.memory_space<vmem_shared>>
    %dma_start3A_82 = tpu.memref_slice %arg8[%dma_start3A_71] : memref<4x!tpu.dma_semaphore, #tpu.memory_space<semaphore_mem>> -> memref<1x!tpu.dma_semaphore, #tpu.memory_space<semaphore_mem>>
    %dma_start3A_83 = tpu.memref_squeeze %dma_start3A_82 : memref<1x!tpu.dma_semaphore, #tpu.memory_space<semaphore_mem>> -> memref<!tpu.dma_semaphore, #tpu.memory_space<semaphore_mem>>
    tpu.enqueue_indirect_dma source(%dma_start3A_81 : memref<367x128xf32, #tpu.memory_space<vmem_shared>>) target(%dma_start3A_75 : memref<50x128xf32, #tpu.memory_space<vmem>>) offsets(%dma_start3A_78 : memref<50xi32, #tpu.memory_space<vmem>>) semaphore(%dma_start3A_83 : memref<!tpu.dma_semaphore, #tpu.memory_space<semaphore_mem>>)
    %dma_start3A_84 = arith.constant 5 : i32
    %dma_start3A_85 = arith.constant 2 : i32
    %dma_start3A_86 = arith.constant 1 : i32
    %dma_start3A_87 = arith.constant 2 : i32
    %dma_start3A_88 = arith.constant 0 : i32
    %dma_start3A_89 = arith.constant 0 : i32
    %dma_start3A_90 = tpu.memref_slice %arg6[%dma_start3A_85, %dma_start3A_86, %dma_start3A_88, %dma_start3A_89] : memref<4x2x50x128xf32, #tpu.memory_space<vmem>> -> memref<1x1x50x128xf32, #tpu.memory_space<vmem>>
    %dma_start3A_91 = tpu.memref_squeeze %dma_start3A_90 : memref<1x1x50x128xf32, #tpu.memory_space<vmem>> -> memref<50x128xf32, #tpu.memory_space<vmem>>
    %dma_start3A_92 = arith.constant 0 : i32
    %dma_start3A_93 = tpu.memref_slice %arg5[%dma_start3A_84, %dma_start3A_92] : memref<128x50xi32, #tpu.memory_space<vmem>> -> memref<1x50xi32, #tpu.memory_space<vmem>>
    %dma_start3A_94 = tpu.memref_squeeze %dma_start3A_93 : memref<1x50xi32, #tpu.memory_space<vmem>> -> memref<50xi32, #tpu.memory_space<vmem>>
    %dma_start3A_95 = arith.constant 0 : i32
    %dma_start3A_96 = arith.constant 0 : i32
    %dma_start3A_97 = tpu.memref_slice %arg7[%dma_start3A_95, %dma_start3A_96] : memref<367x128xf32, #tpu.memory_space<vmem_shared>> -> memref<367x128xf32, #tpu.memory_space<vmem_shared>>
    %dma_start3A_98 = tpu.memref_slice %arg8[%dma_start3A_87] : memref<4x!tpu.dma_semaphore, #tpu.memory_space<semaphore_mem>> -> memref<1x!tpu.dma_semaphore, #tpu.memory_space<semaphore_mem>>
    %dma_start3A_99 = tpu.memref_squeeze %dma_start3A_98 : memref<1x!tpu.dma_semaphore, #tpu.memory_space<semaphore_mem>> -> memref<!tpu.dma_semaphore, #tpu.memory_space<semaphore_mem>>
    tpu.enqueue_indirect_dma source(%dma_start3A_97 : memref<367x128xf32, #tpu.memory_space<vmem_shared>>) target(%dma_start3A_91 : memref<50x128xf32, #tpu.memory_space<vmem>>) offsets(%dma_start3A_94 : memref<50xi32, #tpu.memory_space<vmem>>) semaphore(%dma_start3A_99 : memref<!tpu.dma_semaphore, #tpu.memory_space<semaphore_mem>>)
    %dma_start3A_100 = arith.constant 6 : i32
    %dma_start3A_101 = arith.constant 3 : i32
    %dma_start3A_102 = arith.constant 0 : i32
    %dma_start3A_103 = arith.constant 3 : i32
    %dma_start3A_104 = arith.constant 0 : i32
    %dma_start3A_105 = arith.constant 0 : i32
    %dma_start3A_106 = tpu.memref_slice %arg6[%dma_start3A_101, %dma_start3A_102, %dma_start3A_104, %dma_start3A_105] : memref<4x2x50x128xf32, #tpu.memory_space<vmem>> -> memref<1x1x50x128xf32, #tpu.memory_space<vmem>>
    %dma_start3A_107 = tpu.memref_squeeze %dma_start3A_106 : memref<1x1x50x128xf32, #tpu.memory_space<vmem>> -> memref<50x128xf32, #tpu.memory_space<vmem>>
    %dma_start3A_108 = arith.constant 0 : i32
    %dma_start3A_109 = tpu.memref_slice %arg5[%dma_start3A_100, %dma_start3A_108] : memref<128x50xi32, #tpu.memory_space<vmem>> -> memref<1x50xi32, #tpu.memory_space<vmem>>
    %dma_start3A_110 = tpu.memref_squeeze %dma_start3A_109 : memref<1x50xi32, #tpu.memory_space<vmem>> -> memref<50xi32, #tpu.memory_space<vmem>>
    %dma_start3A_111 = arith.constant 0 : i32
    %dma_start3A_112 = arith.constant 0 : i32
    %dma_start3A_113 = tpu.memref_slice %arg7[%dma_start3A_111, %dma_start3A_112] : memref<367x128xf32, #tpu.memory_space<vmem_shared>> -> memref<367x128xf32, #tpu.memory_space<vmem_shared>>
    %dma_start3A_114 = tpu.memref_slice %arg8[%dma_start3A_103] : memref<4x!tpu.dma_semaphore, #tpu.memory_space<semaphore_mem>> -> memref<1x!tpu.dma_semaphore, #tpu.memory_space<semaphore_mem>>
    %dma_start3A_115 = tpu.memref_squeeze %dma_start3A_114 : memref<1x!tpu.dma_semaphore, #tpu.memory_space<semaphore_mem>> -> memref<!tpu.dma_semaphore, #tpu.memory_space<semaphore_mem>>
    tpu.enqueue_indirect_dma source(%dma_start3A_113 : memref<367x128xf32, #tpu.memory_space<vmem_shared>>) target(%dma_start3A_107 : memref<50x128xf32, #tpu.memory_space<vmem>>) offsets(%dma_start3A_110 : memref<50xi32, #tpu.memory_space<vmem>>) semaphore(%dma_start3A_115 : memref<!tpu.dma_semaphore, #tpu.memory_space<semaphore_mem>>)
    %dma_start3A_116 = arith.constant 7 : i32
    %dma_start3A_117 = arith.constant 3 : i32
    %dma_start3A_118 = arith.constant 1 : i32
    %dma_start3A_119 = arith.constant 3 : i32
    %dma_start3A_120 = arith.constant 0 : i32
    %dma_start3A_121 = arith.constant 0 : i32
    %dma_start3A_122 = tpu.memref_slice %arg6[%dma_start3A_117, %dma_start3A_118, %dma_start3A_120, %dma_start3A_121] : memref<4x2x50x128xf32, #tpu.memory_space<vmem>> -> memref<1x1x50x128xf32, #tpu.memory_space<vmem>>
    %dma_start3A_123 = tpu.memref_squeeze %dma_start3A_122 : memref<1x1x50x128xf32, #tpu.memory_space<vmem>> -> memref<50x128xf32, #tpu.memory_space<vmem>>
    %dma_start3A_124 = arith.constant 0 : i32
    %dma_start3A_125 = tpu.memref_slice %arg5[%dma_start3A_116, %dma_start3A_124] : memref<128x50xi32, #tpu.memory_space<vmem>> -> memref<1x50xi32, #tpu.memory_space<vmem>>
    %dma_start3A_126 = tpu.memref_squeeze %dma_start3A_125 : memref<1x50xi32, #tpu.memory_space<vmem>> -> memref<50xi32, #tpu.memory_space<vmem>>
    %dma_start3A_127 = arith.constant 0 : i32
    %dma_start3A_128 = arith.constant 0 : i32
    %dma_start3A_129 = tpu.memref_slice %arg7[%dma_start3A_127, %dma_start3A_128] : memref<367x128xf32, #tpu.memory_space<vmem_shared>> -> memref<367x128xf32, #tpu.memory_space<vmem_shared>>
    %dma_start3A_130 = tpu.memref_slice %arg8[%dma_start3A_119] : memref<4x!tpu.dma_semaphore, #tpu.memory_space<semaphore_mem>> -> memref<1x!tpu.dma_semaphore, #tpu.memory_space<semaphore_mem>>
    %dma_start3A_131 = tpu.memref_squeeze %dma_start3A_130 : memref<1x!tpu.dma_semaphore, #tpu.memory_space<semaphore_mem>> -> memref<!tpu.dma_semaphore, #tpu.memory_space<semaphore_mem>>
    tpu.enqueue_indirect_dma source(%dma_start3A_129 : memref<367x128xf32, #tpu.memory_space<vmem_shared>>) target(%dma_start3A_123 : memref<50x128xf32, #tpu.memory_space<vmem>>) offsets(%dma_start3A_126 : memref<50xi32, #tpu.memory_space<vmem>>) semaphore(%dma_start3A_131 : memref<!tpu.dma_semaphore, #tpu.memory_space<semaphore_mem>>)
    %scan3A = arith.constant 0 : i32
    %scan3A_132 = arith.constant 0 : i32
    %scan3A_133 = arith.constant 16 : i32
    %scan3A_134 = arith.addi %scan3A_132, %scan3A_133 : i32
    %scan3A_135 = arith.constant 1 : i32
    scf.for %scan3A_216 = %scan3A_132 to %scan3A_134 step %scan3A_135  : i32 {
      %mul3A_217 = arith.constant 4 : i32
      %mul3A_218 = arith.muli %scan3A_216, %mul3A_217 : i32
      %add3A_219 = arith.constant 0 : i32
      %add3A_220 = arith.addi %mul3A_218, %add3A_219 : i32
      %mul3A_221 = arith.constant 2 : i32
      %mul3A_222 = arith.muli %add3A_220, %mul3A_221 : i32
      %add3A_223 = arith.constant 0 : i32
      %add3A_224 = arith.addi %mul3A_222, %add3A_223 : i32
      %dma_wait3A_225 = arith.constant 0 : i32
      %dma_wait3A_226 = arith.constant 0 : i32
      %dma_wait3A_227 = arith.constant 0 : i32
      %dma_wait3A_228 = arith.constant 0 : i32
      %dma_wait3A_229 = arith.constant 0 : i32
      %dma_wait3A_230 = tpu.memref_slice %arg6[%dma_wait3A_225, %dma_wait3A_226, %dma_wait3A_228, %dma_wait3A_229] : memref<4x2x50x128xf32, #tpu.memory_space<vmem>> -> memref<1x1x50x128xf32, #tpu.memory_space<vmem>>
      %dma_wait3A_231 = tpu.memref_squeeze %dma_wait3A_230 : memref<1x1x50x128xf32, #tpu.memory_space<vmem>> -> memref<50x128xf32, #tpu.memory_space<vmem>>
      %dma_wait3A_232 = arith.constant 0 : i32
      %dma_wait3A_233 = tpu.memref_slice %arg5[%add3A_224, %dma_wait3A_232] : memref<128x50xi32, #tpu.memory_space<vmem>> -> memref<1x50xi32, #tpu.memory_space<vmem>>
      %dma_wait3A_234 = tpu.memref_squeeze %dma_wait3A_233 : memref<1x50xi32, #tpu.memory_space<vmem>> -> memref<50xi32, #tpu.memory_space<vmem>>
      %dma_wait3A_235 = arith.constant 0 : i32
      %dma_wait3A_236 = arith.constant 0 : i32
      %dma_wait3A_237 = tpu.memref_slice %arg7[%dma_wait3A_235, %dma_wait3A_236] : memref<367x128xf32, #tpu.memory_space<vmem_shared>> -> memref<367x128xf32, #tpu.memory_space<vmem_shared>>
      %dma_wait3A_238 = tpu.memref_slice %arg8[%dma_wait3A_227] : memref<4x!tpu.dma_semaphore, #tpu.memory_space<semaphore_mem>> -> memref<1x!tpu.dma_semaphore, #tpu.memory_space<semaphore_mem>>
      %dma_wait3A_239 = tpu.memref_squeeze %dma_wait3A_238 : memref<1x!tpu.dma_semaphore, #tpu.memory_space<semaphore_mem>> -> memref<!tpu.dma_semaphore, #tpu.memory_space<semaphore_mem>>
      tpu.wait_indirect_dma semaphore(%dma_wait3A_239 : memref<!tpu.dma_semaphore, #tpu.memory_space<semaphore_mem>>) src(%dma_wait3A_237 : memref<367x128xf32, #tpu.memory_space<vmem_shared>>) dst(%dma_wait3A_231 : memref<50x128xf32, #tpu.memory_space<vmem>>)
      %mul3A_240 = arith.constant 2 : i32
      %mul3A_241 = arith.muli %add3A_220, %mul3A_240 : i32
      %add3A_242 = arith.constant 1 : i32
      %add3A_243 = arith.addi %mul3A_241, %add3A_242 : i32
      %dma_wait3A_244 = arith.constant 0 : i32
      %dma_wait3A_245 = arith.constant 1 : i32
      %dma_wait3A_246 = arith.constant 0 : i32
      %dma_wait3A_247 = arith.constant 0 : i32
      %dma_wait3A_248 = arith.constant 0 : i32
      %dma_wait3A_249 = tpu.memref_slice %arg6[%dma_wait3A_244, %dma_wait3A_245, %dma_wait3A_247, %dma_wait3A_248] : memref<4x2x50x128xf32, #tpu.memory_space<vmem>> -> memref<1x1x50x128xf32, #tpu.memory_space<vmem>>
      %dma_wait3A_250 = tpu.memref_squeeze %dma_wait3A_249 : memref<1x1x50x128xf32, #tpu.memory_space<vmem>> -> memref<50x128xf32, #tpu.memory_space<vmem>>
      %dma_wait3A_251 = arith.constant 0 : i32
      %dma_wait3A_252 = tpu.memref_slice %arg5[%add3A_243, %dma_wait3A_251] : memref<128x50xi32, #tpu.memory_space<vmem>> -> memref<1x50xi32, #tpu.memory_space<vmem>>
      %dma_wait3A_253 = tpu.memref_squeeze %dma_wait3A_252 : memref<1x50xi32, #tpu.memory_space<vmem>> -> memref<50xi32, #tpu.memory_space<vmem>>
      %dma_wait3A_254 = arith.constant 0 : i32
      %dma_wait3A_255 = arith.constant 0 : i32
      %dma_wait3A_256 = tpu.memref_slice %arg7[%dma_wait3A_254, %dma_wait3A_255] : memref<367x128xf32, #tpu.memory_space<vmem_shared>> -> memref<367x128xf32, #tpu.memory_space<vmem_shared>>
      %dma_wait3A_257 = tpu.memref_slice %arg8[%dma_wait3A_246] : memref<4x!tpu.dma_semaphore, #tpu.memory_space<semaphore_mem>> -> memref<1x!tpu.dma_semaphore, #tpu.memory_space<semaphore_mem>>
      %dma_wait3A_258 = tpu.memref_squeeze %dma_wait3A_257 : memref<1x!tpu.dma_semaphore, #tpu.memory_space<semaphore_mem>> -> memref<!tpu.dma_semaphore, #tpu.memory_space<semaphore_mem>>
      tpu.wait_indirect_dma semaphore(%dma_wait3A_258 : memref<!tpu.dma_semaphore, #tpu.memory_space<semaphore_mem>>) src(%dma_wait3A_256 : memref<367x128xf32, #tpu.memory_space<vmem_shared>>) dst(%dma_wait3A_250 : memref<50x128xf32, #tpu.memory_space<vmem>>)
      %add3A_259 = arith.constant 0 : i32
      %add3A_260 = arith.addi %mul3A_218, %add3A_259 : i32
      %mul3A_261 = arith.constant 2 : i32
      %mul3A_262 = arith.muli %add3A_260, %mul3A_261 : i32
      %add3A_263 = arith.addi %mul3A_2, %mul3A_262 : i32
      %dma_start3A_264 = arith.constant 0 : i32
      %dma_start3A_265 = arith.constant 0 : i32
      %dma_start3A_266 = arith.constant 0 : i32
      %dma_start3A_267 = arith.constant 0 : i32
      %dma_start3A_268 = arith.constant 0 : i32
      %dma_start3A_269 = tpu.memref_slice %arg6[%dma_start3A_264, %dma_start3A_266, %dma_start3A_267, %dma_start3A_268] : memref<4x2x50x128xf32, #tpu.memory_space<vmem>> -> memref<1x2x50x128xf32, #tpu.memory_space<vmem>>
      %dma_start3A_270 = tpu.memref_squeeze %dma_start3A_269 : memref<1x2x50x128xf32, #tpu.memory_space<vmem>> -> memref<2x50x128xf32, #tpu.memory_space<vmem>>
      %dma_start3A_271 = arith.constant 0 : i32
      %dma_start3A_272 = arith.constant 0 : i32
      %dma_start3A_273 = tpu.memref_slice %arg4[%add3A_263, %dma_start3A_271, %dma_start3A_272] : memref<4096x50x128xf32, #tpu.memory_space<hbm>> -> memref<2x50x128xf32, #tpu.memory_space<hbm>>
      %dma_start3A_274 = tpu.memref_slice %arg9[%dma_start3A_265] : memref<4x!tpu.dma_semaphore, #tpu.memory_space<semaphore_mem>> -> memref<1x!tpu.dma_semaphore, #tpu.memory_space<semaphore_mem>>
      %dma_start3A_275 = tpu.memref_squeeze %dma_start3A_274 : memref<1x!tpu.dma_semaphore, #tpu.memory_space<semaphore_mem>> -> memref<!tpu.dma_semaphore, #tpu.memory_space<semaphore_mem>>
      %dma_start3A_276 = arith.constant 0 : i32
      %dma_start3A_277 = arith.constant 0 : i32
      %dma_start3A_278 = tpu.memref_slice %arg4[%add3A_263, %dma_start3A_276, %dma_start3A_277] : memref<4096x50x128xf32, #tpu.memory_space<hbm>> -> memref<2x50x128xf32, #tpu.memory_space<hbm>>
      %dma_start3A_279 = arith.constant 0 : i32
      %dma_start3A_280 = arith.constant 0 : i32
      %dma_start3A_281 = arith.constant 0 : i32
      %dma_start3A_282 = tpu.memref_slice %arg6[%dma_start3A_264, %dma_start3A_279, %dma_start3A_280, %dma_start3A_281] : memref<4x2x50x128xf32, #tpu.memory_space<vmem>> -> memref<1x2x50x128xf32, #tpu.memory_space<vmem>>
      %dma_start3A_283 = tpu.memref_squeeze %dma_start3A_282 : memref<1x2x50x128xf32, #tpu.memory_space<vmem>> -> memref<2x50x128xf32, #tpu.memory_space<vmem>>
      tpu.enqueue_dma source(%dma_start3A_283 : memref<2x50x128xf32, #tpu.memory_space<vmem>>) target(%dma_start3A_278 : memref<2x50x128xf32, #tpu.memory_space<hbm>>) target_semaphore(%dma_start3A_275 : memref<!tpu.dma_semaphore, #tpu.memory_space<semaphore_mem>>)
      %add3A_284 = arith.constant 1 : i32
      %add3A_285 = arith.addi %mul3A_218, %add3A_284 : i32
      %mul3A_286 = arith.constant 2 : i32
      %mul3A_287 = arith.muli %add3A_285, %mul3A_286 : i32
      %add3A_288 = arith.constant 0 : i32
      %add3A_289 = arith.addi %mul3A_287, %add3A_288 : i32
      %dma_wait3A_290 = arith.constant 1 : i32
      %dma_wait3A_291 = arith.constant 0 : i32
      %dma_wait3A_292 = arith.constant 1 : i32
      %dma_wait3A_293 = arith.constant 0 : i32
      %dma_wait3A_294 = arith.constant 0 : i32
      %dma_wait3A_295 = tpu.memref_slice %arg6[%dma_wait3A_290, %dma_wait3A_291, %dma_wait3A_293, %dma_wait3A_294] : memref<4x2x50x128xf32, #tpu.memory_space<vmem>> -> memref<1x1x50x128xf32, #tpu.memory_space<vmem>>
      %dma_wait3A_296 = tpu.memref_squeeze %dma_wait3A_295 : memref<1x1x50x128xf32, #tpu.memory_space<vmem>> -> memref<50x128xf32, #tpu.memory_space<vmem>>
      %dma_wait3A_297 = arith.constant 0 : i32
      %dma_wait3A_298 = tpu.memref_slice %arg5[%add3A_289, %dma_wait3A_297] : memref<128x50xi32, #tpu.memory_space<vmem>> -> memref<1x50xi32, #tpu.memory_space<vmem>>
      %dma_wait3A_299 = tpu.memref_squeeze %dma_wait3A_298 : memref<1x50xi32, #tpu.memory_space<vmem>> -> memref<50xi32, #tpu.memory_space<vmem>>
      %dma_wait3A_300 = arith.constant 0 : i32
      %dma_wait3A_301 = arith.constant 0 : i32
      %dma_wait3A_302 = tpu.memref_slice %arg7[%dma_wait3A_300, %dma_wait3A_301] : memref<367x128xf32, #tpu.memory_space<vmem_shared>> -> memref<367x128xf32, #tpu.memory_space<vmem_shared>>
      %dma_wait3A_303 = tpu.memref_slice %arg8[%dma_wait3A_292] : memref<4x!tpu.dma_semaphore, #tpu.memory_space<semaphore_mem>> -> memref<1x!tpu.dma_semaphore, #tpu.memory_space<semaphore_mem>>
      %dma_wait3A_304 = tpu.memref_squeeze %dma_wait3A_303 : memref<1x!tpu.dma_semaphore, #tpu.memory_space<semaphore_mem>> -> memref<!tpu.dma_semaphore, #tpu.memory_space<semaphore_mem>>
      tpu.wait_indirect_dma semaphore(%dma_wait3A_304 : memref<!tpu.dma_semaphore, #tpu.memory_space<semaphore_mem>>) src(%dma_wait3A_302 : memref<367x128xf32, #tpu.memory_space<vmem_shared>>) dst(%dma_wait3A_296 : memref<50x128xf32, #tpu.memory_space<vmem>>)
      %mul3A_305 = arith.constant 2 : i32
      %mul3A_306 = arith.muli %add3A_285, %mul3A_305 : i32
      %add3A_307 = arith.constant 1 : i32
      %add3A_308 = arith.addi %mul3A_306, %add3A_307 : i32
      %dma_wait3A_309 = arith.constant 1 : i32
      %dma_wait3A_310 = arith.constant 1 : i32
      %dma_wait3A_311 = arith.constant 1 : i32
      %dma_wait3A_312 = arith.constant 0 : i32
      %dma_wait3A_313 = arith.constant 0 : i32
      %dma_wait3A_314 = tpu.memref_slice %arg6[%dma_wait3A_309, %dma_wait3A_310, %dma_wait3A_312, %dma_wait3A_313] : memref<4x2x50x128xf32, #tpu.memory_space<vmem>> -> memref<1x1x50x128xf32, #tpu.memory_space<vmem>>
      %dma_wait3A_315 = tpu.memref_squeeze %dma_wait3A_314 : memref<1x1x50x128xf32, #tpu.memory_space<vmem>> -> memref<50x128xf32, #tpu.memory_space<vmem>>
      %dma_wait3A_316 = arith.constant 0 : i32
      %dma_wait3A_317 = tpu.memref_slice %arg5[%add3A_308, %dma_wait3A_316] : memref<128x50xi32, #tpu.memory_space<vmem>> -> memref<1x50xi32, #tpu.memory_space<vmem>>
      %dma_wait3A_318 = tpu.memref_squeeze %dma_wait3A_317 : memref<1x50xi32, #tpu.memory_space<vmem>> -> memref<50xi32, #tpu.memory_space<vmem>>
      %dma_wait3A_319 = arith.constant 0 : i32
      %dma_wait3A_320 = arith.constant 0 : i32
      %dma_wait3A_321 = tpu.memref_slice %arg7[%dma_wait3A_319, %dma_wait3A_320] : memref<367x128xf32, #tpu.memory_space<vmem_shared>> -> memref<367x128xf32, #tpu.memory_space<vmem_shared>>
      %dma_wait3A_322 = tpu.memref_slice %arg8[%dma_wait3A_311] : memref<4x!tpu.dma_semaphore, #tpu.memory_space<semaphore_mem>> -> memref<1x!tpu.dma_semaphore, #tpu.memory_space<semaphore_mem>>
      %dma_wait3A_323 = tpu.memref_squeeze %dma_wait3A_322 : memref<1x!tpu.dma_semaphore, #tpu.memory_space<semaphore_mem>> -> memref<!tpu.dma_semaphore, #tpu.memory_space<semaphore_mem>>
      tpu.wait_indirect_dma semaphore(%dma_wait3A_323 : memref<!tpu.dma_semaphore, #tpu.memory_space<semaphore_mem>>) src(%dma_wait3A_321 : memref<367x128xf32, #tpu.memory_space<vmem_shared>>) dst(%dma_wait3A_315 : memref<50x128xf32, #tpu.memory_space<vmem>>)
      %add3A_324 = arith.constant 1 : i32
      %add3A_325 = arith.addi %mul3A_218, %add3A_324 : i32
      %mul3A_326 = arith.constant 2 : i32
      %mul3A_327 = arith.muli %add3A_325, %mul3A_326 : i32
      %add3A_328 = arith.addi %mul3A_2, %mul3A_327 : i32
      %dma_start3A_329 = arith.constant 1 : i32
      %dma_start3A_330 = arith.constant 1 : i32
      %dma_start3A_331 = arith.constant 0 : i32
      %dma_start3A_332 = arith.constant 0 : i32
      %dma_start3A_333 = arith.constant 0 : i32
      %dma_start3A_334 = tpu.memref_slice %arg6[%dma_start3A_329, %dma_start3A_331, %dma_start3A_332, %dma_start3A_333] : memref<4x2x50x128xf32, #tpu.memory_space<vmem>> -> memref<1x2x50x128xf32, #tpu.memory_space<vmem>>
      %dma_start3A_335 = tpu.memref_squeeze %dma_start3A_334 : memref<1x2x50x128xf32, #tpu.memory_space<vmem>> -> memref<2x50x128xf32, #tpu.memory_space<vmem>>
      %dma_start3A_336 = arith.constant 0 : i32
      %dma_start3A_337 = arith.constant 0 : i32
      %dma_start3A_338 = tpu.memref_slice %arg4[%add3A_328, %dma_start3A_336, %dma_start3A_337] : memref<4096x50x128xf32, #tpu.memory_space<hbm>> -> memref<2x50x128xf32, #tpu.memory_space<hbm>>
      %dma_start3A_339 = tpu.memref_slice %arg9[%dma_start3A_330] : memref<4x!tpu.dma_semaphore, #tpu.memory_space<semaphore_mem>> -> memref<1x!tpu.dma_semaphore, #tpu.memory_space<semaphore_mem>>
      %dma_start3A_340 = tpu.memref_squeeze %dma_start3A_339 : memref<1x!tpu.dma_semaphore, #tpu.memory_space<semaphore_mem>> -> memref<!tpu.dma_semaphore, #tpu.memory_space<semaphore_mem>>
      %dma_start3A_341 = arith.constant 0 : i32
      %dma_start3A_342 = arith.constant 0 : i32
      %dma_start3A_343 = tpu.memref_slice %arg4[%add3A_328, %dma_start3A_341, %dma_start3A_342] : memref<4096x50x128xf32, #tpu.memory_space<hbm>> -> memref<2x50x128xf32, #tpu.memory_space<hbm>>
      %dma_start3A_344 = arith.constant 0 : i32
      %dma_start3A_345 = arith.constant 0 : i32
      %dma_start3A_346 = arith.constant 0 : i32
      %dma_start3A_347 = tpu.memref_slice %arg6[%dma_start3A_329, %dma_start3A_344, %dma_start3A_345, %dma_start3A_346] : memref<4x2x50x128xf32, #tpu.memory_space<vmem>> -> memref<1x2x50x128xf32, #tpu.memory_space<vmem>>
      %dma_start3A_348 = tpu.memref_squeeze %dma_start3A_347 : memref<1x2x50x128xf32, #tpu.memory_space<vmem>> -> memref<2x50x128xf32, #tpu.memory_space<vmem>>
      tpu.enqueue_dma source(%dma_start3A_348 : memref<2x50x128xf32, #tpu.memory_space<vmem>>) target(%dma_start3A_343 : memref<2x50x128xf32, #tpu.memory_space<hbm>>) target_semaphore(%dma_start3A_340 : memref<!tpu.dma_semaphore, #tpu.memory_space<semaphore_mem>>)
      %add3A_349 = arith.constant 2 : i32
      %add3A_350 = arith.addi %mul3A_218, %add3A_349 : i32
      %mul3A_351 = arith.constant 2 : i32
      %mul3A_352 = arith.muli %add3A_350, %mul3A_351 : i32
      %add3A_353 = arith.constant 0 : i32
      %add3A_354 = arith.addi %mul3A_352, %add3A_353 : i32
      %dma_wait3A_355 = arith.constant 2 : i32
      %dma_wait3A_356 = arith.constant 0 : i32
      %dma_wait3A_357 = arith.constant 2 : i32
      %dma_wait3A_358 = arith.constant 0 : i32
      %dma_wait3A_359 = arith.constant 0 : i32
      %dma_wait3A_360 = tpu.memref_slice %arg6[%dma_wait3A_355, %dma_wait3A_356, %dma_wait3A_358, %dma_wait3A_359] : memref<4x2x50x128xf32, #tpu.memory_space<vmem>> -> memref<1x1x50x128xf32, #tpu.memory_space<vmem>>
      %dma_wait3A_361 = tpu.memref_squeeze %dma_wait3A_360 : memref<1x1x50x128xf32, #tpu.memory_space<vmem>> -> memref<50x128xf32, #tpu.memory_space<vmem>>
      %dma_wait3A_362 = arith.constant 0 : i32
      %dma_wait3A_363 = tpu.memref_slice %arg5[%add3A_354, %dma_wait3A_362] : memref<128x50xi32, #tpu.memory_space<vmem>> -> memref<1x50xi32, #tpu.memory_space<vmem>>
      %dma_wait3A_364 = tpu.memref_squeeze %dma_wait3A_363 : memref<1x50xi32, #tpu.memory_space<vmem>> -> memref<50xi32, #tpu.memory_space<vmem>>
      %dma_wait3A_365 = arith.constant 0 : i32
      %dma_wait3A_366 = arith.constant 0 : i32
      %dma_wait3A_367 = tpu.memref_slice %arg7[%dma_wait3A_365, %dma_wait3A_366] : memref<367x128xf32, #tpu.memory_space<vmem_shared>> -> memref<367x128xf32, #tpu.memory_space<vmem_shared>>
      %dma_wait3A_368 = tpu.memref_slice %arg8[%dma_wait3A_357] : memref<4x!tpu.dma_semaphore, #tpu.memory_space<semaphore_mem>> -> memref<1x!tpu.dma_semaphore, #tpu.memory_space<semaphore_mem>>
      %dma_wait3A_369 = tpu.memref_squeeze %dma_wait3A_368 : memref<1x!tpu.dma_semaphore, #tpu.memory_space<semaphore_mem>> -> memref<!tpu.dma_semaphore, #tpu.memory_space<semaphore_mem>>
      tpu.wait_indirect_dma semaphore(%dma_wait3A_369 : memref<!tpu.dma_semaphore, #tpu.memory_space<semaphore_mem>>) src(%dma_wait3A_367 : memref<367x128xf32, #tpu.memory_space<vmem_shared>>) dst(%dma_wait3A_361 : memref<50x128xf32, #tpu.memory_space<vmem>>)
      %mul3A_370 = arith.constant 2 : i32
      %mul3A_371 = arith.muli %add3A_350, %mul3A_370 : i32
      %add3A_372 = arith.constant 1 : i32
      %add3A_373 = arith.addi %mul3A_371, %add3A_372 : i32
      %dma_wait3A_374 = arith.constant 2 : i32
      %dma_wait3A_375 = arith.constant 1 : i32
      %dma_wait3A_376 = arith.constant 2 : i32
      %dma_wait3A_377 = arith.constant 0 : i32
      %dma_wait3A_378 = arith.constant 0 : i32
      %dma_wait3A_379 = tpu.memref_slice %arg6[%dma_wait3A_374, %dma_wait3A_375, %dma_wait3A_377, %dma_wait3A_378] : memref<4x2x50x128xf32, #tpu.memory_space<vmem>> -> memref<1x1x50x128xf32, #tpu.memory_space<vmem>>
      %dma_wait3A_380 = tpu.memref_squeeze %dma_wait3A_379 : memref<1x1x50x128xf32, #tpu.memory_space<vmem>> -> memref<50x128xf32, #tpu.memory_space<vmem>>
      %dma_wait3A_381 = arith.constant 0 : i32
      %dma_wait3A_382 = tpu.memref_slice %arg5[%add3A_373, %dma_wait3A_381] : memref<128x50xi32, #tpu.memory_space<vmem>> -> memref<1x50xi32, #tpu.memory_space<vmem>>
      %dma_wait3A_383 = tpu.memref_squeeze %dma_wait3A_382 : memref<1x50xi32, #tpu.memory_space<vmem>> -> memref<50xi32, #tpu.memory_space<vmem>>
      %dma_wait3A_384 = arith.constant 0 : i32
      %dma_wait3A_385 = arith.constant 0 : i32
      %dma_wait3A_386 = tpu.memref_slice %arg7[%dma_wait3A_384, %dma_wait3A_385] : memref<367x128xf32, #tpu.memory_space<vmem_shared>> -> memref<367x128xf32, #tpu.memory_space<vmem_shared>>
      %dma_wait3A_387 = tpu.memref_slice %arg8[%dma_wait3A_376] : memref<4x!tpu.dma_semaphore, #tpu.memory_space<semaphore_mem>> -> memref<1x!tpu.dma_semaphore, #tpu.memory_space<semaphore_mem>>
      %dma_wait3A_388 = tpu.memref_squeeze %dma_wait3A_387 : memref<1x!tpu.dma_semaphore, #tpu.memory_space<semaphore_mem>> -> memref<!tpu.dma_semaphore, #tpu.memory_space<semaphore_mem>>
      tpu.wait_indirect_dma semaphore(%dma_wait3A_388 : memref<!tpu.dma_semaphore, #tpu.memory_space<semaphore_mem>>) src(%dma_wait3A_386 : memref<367x128xf32, #tpu.memory_space<vmem_shared>>) dst(%dma_wait3A_380 : memref<50x128xf32, #tpu.memory_space<vmem>>)
      %add3A_389 = arith.constant 2 : i32
      %add3A_390 = arith.addi %mul3A_218, %add3A_389 : i32
      %mul3A_391 = arith.constant 2 : i32
      %mul3A_392 = arith.muli %add3A_390, %mul3A_391 : i32
      %add3A_393 = arith.addi %mul3A_2, %mul3A_392 : i32
      %dma_start3A_394 = arith.constant 2 : i32
      %dma_start3A_395 = arith.constant 2 : i32
      %dma_start3A_396 = arith.constant 0 : i32
      %dma_start3A_397 = arith.constant 0 : i32
      %dma_start3A_398 = arith.constant 0 : i32
      %dma_start3A_399 = tpu.memref_slice %arg6[%dma_start3A_394, %dma_start3A_396, %dma_start3A_397, %dma_start3A_398] : memref<4x2x50x128xf32, #tpu.memory_space<vmem>> -> memref<1x2x50x128xf32, #tpu.memory_space<vmem>>
      %dma_start3A_400 = tpu.memref_squeeze %dma_start3A_399 : memref<1x2x50x128xf32, #tpu.memory_space<vmem>> -> memref<2x50x128xf32, #tpu.memory_space<vmem>>
      %dma_start3A_401 = arith.constant 0 : i32
      %dma_start3A_402 = arith.constant 0 : i32
      %dma_start3A_403 = tpu.memref_slice %arg4[%add3A_393, %dma_start3A_401, %dma_start3A_402] : memref<4096x50x128xf32, #tpu.memory_space<hbm>> -> memref<2x50x128xf32, #tpu.memory_space<hbm>>
      %dma_start3A_404 = tpu.memref_slice %arg9[%dma_start3A_395] : memref<4x!tpu.dma_semaphore, #tpu.memory_space<semaphore_mem>> -> memref<1x!tpu.dma_semaphore, #tpu.memory_space<semaphore_mem>>
      %dma_start3A_405 = tpu.memref_squeeze %dma_start3A_404 : memref<1x!tpu.dma_semaphore, #tpu.memory_space<semaphore_mem>> -> memref<!tpu.dma_semaphore, #tpu.memory_space<semaphore_mem>>
      %dma_start3A_406 = arith.constant 0 : i32
      %dma_start3A_407 = arith.constant 0 : i32
      %dma_start3A_408 = tpu.memref_slice %arg4[%add3A_393, %dma_start3A_406, %dma_start3A_407] : memref<4096x50x128xf32, #tpu.memory_space<hbm>> -> memref<2x50x128xf32, #tpu.memory_space<hbm>>
      %dma_start3A_409 = arith.constant 0 : i32
      %dma_start3A_410 = arith.constant 0 : i32
      %dma_start3A_411 = arith.constant 0 : i32
      %dma_start3A_412 = tpu.memref_slice %arg6[%dma_start3A_394, %dma_start3A_409, %dma_start3A_410, %dma_start3A_411] : memref<4x2x50x128xf32, #tpu.memory_space<vmem>> -> memref<1x2x50x128xf32, #tpu.memory_space<vmem>>
      %dma_start3A_413 = tpu.memref_squeeze %dma_start3A_412 : memref<1x2x50x128xf32, #tpu.memory_space<vmem>> -> memref<2x50x128xf32, #tpu.memory_space<vmem>>
      tpu.enqueue_dma source(%dma_start3A_413 : memref<2x50x128xf32, #tpu.memory_space<vmem>>) target(%dma_start3A_408 : memref<2x50x128xf32, #tpu.memory_space<hbm>>) target_semaphore(%dma_start3A_405 : memref<!tpu.dma_semaphore, #tpu.memory_space<semaphore_mem>>)
      %add3A_414 = arith.constant 3 : i32
      %add3A_415 = arith.addi %mul3A_218, %add3A_414 : i32
      %mul3A_416 = arith.constant 2 : i32
      %mul3A_417 = arith.muli %add3A_415, %mul3A_416 : i32
      %add3A_418 = arith.constant 0 : i32
      %add3A_419 = arith.addi %mul3A_417, %add3A_418 : i32
      %dma_wait3A_420 = arith.constant 3 : i32
      %dma_wait3A_421 = arith.constant 0 : i32
      %dma_wait3A_422 = arith.constant 3 : i32
      %dma_wait3A_423 = arith.constant 0 : i32
      %dma_wait3A_424 = arith.constant 0 : i32
      %dma_wait3A_425 = tpu.memref_slice %arg6[%dma_wait3A_420, %dma_wait3A_421, %dma_wait3A_423, %dma_wait3A_424] : memref<4x2x50x128xf32, #tpu.memory_space<vmem>> -> memref<1x1x50x128xf32, #tpu.memory_space<vmem>>
      %dma_wait3A_426 = tpu.memref_squeeze %dma_wait3A_425 : memref<1x1x50x128xf32, #tpu.memory_space<vmem>> -> memref<50x128xf32, #tpu.memory_space<vmem>>
      %dma_wait3A_427 = arith.constant 0 : i32
      %dma_wait3A_428 = tpu.memref_slice %arg5[%add3A_419, %dma_wait3A_427] : memref<128x50xi32, #tpu.memory_space<vmem>> -> memref<1x50xi32, #tpu.memory_space<vmem>>
      %dma_wait3A_429 = tpu.memref_squeeze %dma_wait3A_428 : memref<1x50xi32, #tpu.memory_space<vmem>> -> memref<50xi32, #tpu.memory_space<vmem>>
      %dma_wait3A_430 = arith.constant 0 : i32
      %dma_wait3A_431 = arith.constant 0 : i32
      %dma_wait3A_432 = tpu.memref_slice %arg7[%dma_wait3A_430, %dma_wait3A_431] : memref<367x128xf32, #tpu.memory_space<vmem_shared>> -> memref<367x128xf32, #tpu.memory_space<vmem_shared>>
      %dma_wait3A_433 = tpu.memref_slice %arg8[%dma_wait3A_422] : memref<4x!tpu.dma_semaphore, #tpu.memory_space<semaphore_mem>> -> memref<1x!tpu.dma_semaphore, #tpu.memory_space<semaphore_mem>>
      %dma_wait3A_434 = tpu.memref_squeeze %dma_wait3A_433 : memref<1x!tpu.dma_semaphore, #tpu.memory_space<semaphore_mem>> -> memref<!tpu.dma_semaphore, #tpu.memory_space<semaphore_mem>>
      tpu.wait_indirect_dma semaphore(%dma_wait3A_434 : memref<!tpu.dma_semaphore, #tpu.memory_space<semaphore_mem>>) src(%dma_wait3A_432 : memref<367x128xf32, #tpu.memory_space<vmem_shared>>) dst(%dma_wait3A_426 : memref<50x128xf32, #tpu.memory_space<vmem>>)
      %mul3A_435 = arith.constant 2 : i32
      %mul3A_436 = arith.muli %add3A_415, %mul3A_435 : i32
      %add3A_437 = arith.constant 1 : i32
      %add3A_438 = arith.addi %mul3A_436, %add3A_437 : i32
      %dma_wait3A_439 = arith.constant 3 : i32
      %dma_wait3A_440 = arith.constant 1 : i32
      %dma_wait3A_441 = arith.constant 3 : i32
      %dma_wait3A_442 = arith.constant 0 : i32
      %dma_wait3A_443 = arith.constant 0 : i32
      %dma_wait3A_444 = tpu.memref_slice %arg6[%dma_wait3A_439, %dma_wait3A_440, %dma_wait3A_442, %dma_wait3A_443] : memref<4x2x50x128xf32, #tpu.memory_space<vmem>> -> memref<1x1x50x128xf32, #tpu.memory_space<vmem>>
      %dma_wait3A_445 = tpu.memref_squeeze %dma_wait3A_444 : memref<1x1x50x128xf32, #tpu.memory_space<vmem>> -> memref<50x128xf32, #tpu.memory_space<vmem>>
      %dma_wait3A_446 = arith.constant 0 : i32
      %dma_wait3A_447 = tpu.memref_slice %arg5[%add3A_438, %dma_wait3A_446] : memref<128x50xi32, #tpu.memory_space<vmem>> -> memref<1x50xi32, #tpu.memory_space<vmem>>
      %dma_wait3A_448 = tpu.memref_squeeze %dma_wait3A_447 : memref<1x50xi32, #tpu.memory_space<vmem>> -> memref<50xi32, #tpu.memory_space<vmem>>
      %dma_wait3A_449 = arith.constant 0 : i32
      %dma_wait3A_450 = arith.constant 0 : i32
      %dma_wait3A_451 = tpu.memref_slice %arg7[%dma_wait3A_449, %dma_wait3A_450] : memref<367x128xf32, #tpu.memory_space<vmem_shared>> -> memref<367x128xf32, #tpu.memory_space<vmem_shared>>
      %dma_wait3A_452 = tpu.memref_slice %arg8[%dma_wait3A_441] : memref<4x!tpu.dma_semaphore, #tpu.memory_space<semaphore_mem>> -> memref<1x!tpu.dma_semaphore, #tpu.memory_space<semaphore_mem>>
      %dma_wait3A_453 = tpu.memref_squeeze %dma_wait3A_452 : memref<1x!tpu.dma_semaphore, #tpu.memory_space<semaphore_mem>> -> memref<!tpu.dma_semaphore, #tpu.memory_space<semaphore_mem>>
      tpu.wait_indirect_dma semaphore(%dma_wait3A_453 : memref<!tpu.dma_semaphore, #tpu.memory_space<semaphore_mem>>) src(%dma_wait3A_451 : memref<367x128xf32, #tpu.memory_space<vmem_shared>>) dst(%dma_wait3A_445 : memref<50x128xf32, #tpu.memory_space<vmem>>)
      %add3A_454 = arith.constant 3 : i32
      %add3A_455 = arith.addi %mul3A_218, %add3A_454 : i32
      %mul3A_456 = arith.constant 2 : i32
      %mul3A_457 = arith.muli %add3A_455, %mul3A_456 : i32
      %add3A_458 = arith.addi %mul3A_2, %mul3A_457 : i32
      %dma_start3A_459 = arith.constant 3 : i32
      %dma_start3A_460 = arith.constant 3 : i32
      %dma_start3A_461 = arith.constant 0 : i32
      %dma_start3A_462 = arith.constant 0 : i32
      %dma_start3A_463 = arith.constant 0 : i32
      %dma_start3A_464 = tpu.memref_slice %arg6[%dma_start3A_459, %dma_start3A_461, %dma_start3A_462, %dma_start3A_463] : memref<4x2x50x128xf32, #tpu.memory_space<vmem>> -> memref<1x2x50x128xf32, #tpu.memory_space<vmem>>
      %dma_start3A_465 = tpu.memref_squeeze %dma_start3A_464 : memref<1x2x50x128xf32, #tpu.memory_space<vmem>> -> memref<2x50x128xf32, #tpu.memory_space<vmem>>
      %dma_start3A_466 = arith.constant 0 : i32
      %dma_start3A_467 = arith.constant 0 : i32
      %dma_start3A_468 = tpu.memref_slice %arg4[%add3A_458, %dma_start3A_466, %dma_start3A_467] : memref<4096x50x128xf32, #tpu.memory_space<hbm>> -> memref<2x50x128xf32, #tpu.memory_space<hbm>>
      %dma_start3A_469 = tpu.memref_slice %arg9[%dma_start3A_460] : memref<4x!tpu.dma_semaphore, #tpu.memory_space<semaphore_mem>> -> memref<1x!tpu.dma_semaphore, #tpu.memory_space<semaphore_mem>>
      %dma_start3A_470 = tpu.memref_squeeze %dma_start3A_469 : memref<1x!tpu.dma_semaphore, #tpu.memory_space<semaphore_mem>> -> memref<!tpu.dma_semaphore, #tpu.memory_space<semaphore_mem>>
      %dma_start3A_471 = arith.constant 0 : i32
      %dma_start3A_472 = arith.constant 0 : i32
      %dma_start3A_473 = tpu.memref_slice %arg4[%add3A_458, %dma_start3A_471, %dma_start3A_472] : memref<4096x50x128xf32, #tpu.memory_space<hbm>> -> memref<2x50x128xf32, #tpu.memory_space<hbm>>
      %dma_start3A_474 = arith.constant 0 : i32
      %dma_start3A_475 = arith.constant 0 : i32
      %dma_start3A_476 = arith.constant 0 : i32
      %dma_start3A_477 = tpu.memref_slice %arg6[%dma_start3A_459, %dma_start3A_474, %dma_start3A_475, %dma_start3A_476] : memref<4x2x50x128xf32, #tpu.memory_space<vmem>> -> memref<1x2x50x128xf32, #tpu.memory_space<vmem>>
      %dma_start3A_478 = tpu.memref_squeeze %dma_start3A_477 : memref<1x2x50x128xf32, #tpu.memory_space<vmem>> -> memref<2x50x128xf32, #tpu.memory_space<vmem>>
      tpu.enqueue_dma source(%dma_start3A_478 : memref<2x50x128xf32, #tpu.memory_space<vmem>>) target(%dma_start3A_473 : memref<2x50x128xf32, #tpu.memory_space<hbm>>) target_semaphore(%dma_start3A_470 : memref<!tpu.dma_semaphore, #tpu.memory_space<semaphore_mem>>)
      %add3A_479 = arith.constant 4 : i32
      %add3A_480 = arith.addi %mul3A_218, %add3A_479 : i32
      %add3A_481 = arith.constant 0 : i32
      %add3A_482 = arith.addi %add3A_480, %add3A_481 : i32
      %lt3A = arith.constant 64 : i32
      %lt3A_483 = arith.cmpi slt, %add3A_482, %lt3A : i32
      %convert_element_type3A_484 = arith.extui %lt3A_483 : i1 to i32
      %cond3A_485 = arith.constant 0 : i32
      %cond3A_486 = arith.cmpi ne, %convert_element_type3A_484, %cond3A_485 : i32
      scf.if %cond3A_486 {
        %dma_wait3A_514 = arith.constant 0 : i32
        %dma_wait3A_515 = arith.constant 0 : i32
        %dma_wait3A_516 = arith.constant 0 : i32
        %dma_wait3A_517 = arith.constant 0 : i32
        %dma_wait3A_518 = arith.constant 0 : i32
        %dma_wait3A_519 = tpu.memref_slice %arg6[%dma_wait3A_514, %dma_wait3A_516, %dma_wait3A_517, %dma_wait3A_518] : memref<4x2x50x128xf32, #tpu.memory_space<vmem>> -> memref<1x2x50x128xf32, #tpu.memory_space<vmem>>
        %dma_wait3A_520 = tpu.memref_squeeze %dma_wait3A_519 : memref<1x2x50x128xf32, #tpu.memory_space<vmem>> -> memref<2x50x128xf32, #tpu.memory_space<vmem>>
        %dma_wait3A_521 = arith.constant 0 : i32
        %dma_wait3A_522 = arith.constant 0 : i32
        %dma_wait3A_523 = tpu.memref_slice %arg4[%mul3A_2, %dma_wait3A_521, %dma_wait3A_522] : memref<4096x50x128xf32, #tpu.memory_space<hbm>> -> memref<2x50x128xf32, #tpu.memory_space<hbm>>
        %dma_wait3A_524 = tpu.memref_slice %arg9[%dma_wait3A_515] : memref<4x!tpu.dma_semaphore, #tpu.memory_space<semaphore_mem>> -> memref<1x!tpu.dma_semaphore, #tpu.memory_space<semaphore_mem>>
        %dma_wait3A_525 = tpu.memref_squeeze %dma_wait3A_524 : memref<1x!tpu.dma_semaphore, #tpu.memory_space<semaphore_mem>> -> memref<!tpu.dma_semaphore, #tpu.memory_space<semaphore_mem>>
        %dma_wait3A_526 = arith.constant 0 : i32
        %dma_wait3A_527 = arith.constant 0 : i32
        %dma_wait3A_528 = tpu.memref_slice %arg4[%mul3A_2, %dma_wait3A_526, %dma_wait3A_527] : memref<4096x50x128xf32, #tpu.memory_space<hbm>> -> memref<2x50x128xf32, #tpu.memory_space<hbm>>
        %dma_wait3A_529 = arith.constant 0 : i32
        %dma_wait3A_530 = arith.constant 0 : i32
        %dma_wait3A_531 = arith.constant 0 : i32
        %dma_wait3A_532 = tpu.memref_slice %arg6[%dma_wait3A_514, %dma_wait3A_529, %dma_wait3A_530, %dma_wait3A_531] : memref<4x2x50x128xf32, #tpu.memory_space<vmem>> -> memref<1x2x50x128xf32, #tpu.memory_space<vmem>>
        %dma_wait3A_533 = tpu.memref_squeeze %dma_wait3A_532 : memref<1x2x50x128xf32, #tpu.memory_space<vmem>> -> memref<2x50x128xf32, #tpu.memory_space<vmem>>
        tpu.wait_dma2 semaphore(%dma_wait3A_525 : memref<!tpu.dma_semaphore, #tpu.memory_space<semaphore_mem>>) src(%dma_wait3A_533 : memref<2x50x128xf32, #tpu.memory_space<vmem>>) dst(%dma_wait3A_528 : memref<2x50x128xf32, #tpu.memory_space<hbm>>)
        %add3A_534 = arith.constant 4 : i32
        %add3A_535 = arith.addi %mul3A_218, %add3A_534 : i32
        %add3A_536 = arith.constant 0 : i32
        %add3A_537 = arith.addi %add3A_535, %add3A_536 : i32
        %mul3A_538 = arith.constant 2 : i32
        %mul3A_539 = arith.muli %add3A_537, %mul3A_538 : i32
        %add3A_540 = arith.constant 0 : i32
        %add3A_541 = arith.addi %mul3A_539, %add3A_540 : i32
        %dma_start3A_542 = arith.constant 0 : i32
        %dma_start3A_543 = arith.constant 0 : i32
        %dma_start3A_544 = arith.constant 0 : i32
        %dma_start3A_545 = arith.constant 0 : i32
        %dma_start3A_546 = arith.constant 0 : i32
        %dma_start3A_547 = tpu.memref_slice %arg6[%dma_start3A_542, %dma_start3A_543, %dma_start3A_545, %dma_start3A_546] : memref<4x2x50x128xf32, #tpu.memory_space<vmem>> -> memref<1x1x50x128xf32, #tpu.memory_space<vmem>>
        %dma_start3A_548 = tpu.memref_squeeze %dma_start3A_547 : memref<1x1x50x128xf32, #tpu.memory_space<vmem>> -> memref<50x128xf32, #tpu.memory_space<vmem>>
        %dma_start3A_549 = arith.constant 0 : i32
        %dma_start3A_550 = tpu.memref_slice %arg5[%add3A_541, %dma_start3A_549] : memref<128x50xi32, #tpu.memory_space<vmem>> -> memref<1x50xi32, #tpu.memory_space<vmem>>
        %dma_start3A_551 = tpu.memref_squeeze %dma_start3A_550 : memref<1x50xi32, #tpu.memory_space<vmem>> -> memref<50xi32, #tpu.memory_space<vmem>>
        %dma_start3A_552 = arith.constant 0 : i32
        %dma_start3A_553 = arith.constant 0 : i32
        %dma_start3A_554 = tpu.memref_slice %arg7[%dma_start3A_552, %dma_start3A_553] : memref<367x128xf32, #tpu.memory_space<vmem_shared>> -> memref<367x128xf32, #tpu.memory_space<vmem_shared>>
        %dma_start3A_555 = tpu.memref_slice %arg8[%dma_start3A_544] : memref<4x!tpu.dma_semaphore, #tpu.memory_space<semaphore_mem>> -> memref<1x!tpu.dma_semaphore, #tpu.memory_space<semaphore_mem>>
        %dma_start3A_556 = tpu.memref_squeeze %dma_start3A_555 : memref<1x!tpu.dma_semaphore, #tpu.memory_space<semaphore_mem>> -> memref<!tpu.dma_semaphore, #tpu.memory_space<semaphore_mem>>
        tpu.enqueue_indirect_dma source(%dma_start3A_554 : memref<367x128xf32, #tpu.memory_space<vmem_shared>>) target(%dma_start3A_548 : memref<50x128xf32, #tpu.memory_space<vmem>>) offsets(%dma_start3A_551 : memref<50xi32, #tpu.memory_space<vmem>>) semaphore(%dma_start3A_556 : memref<!tpu.dma_semaphore, #tpu.memory_space<semaphore_mem>>)
        %mul3A_557 = arith.constant 2 : i32
        %mul3A_558 = arith.muli %add3A_537, %mul3A_557 : i32
        %add3A_559 = arith.constant 1 : i32
        %add3A_560 = arith.addi %mul3A_558, %add3A_559 : i32
        %dma_start3A_561 = arith.constant 0 : i32
        %dma_start3A_562 = arith.constant 1 : i32
        %dma_start3A_563 = arith.constant 0 : i32
        %dma_start3A_564 = arith.constant 0 : i32
        %dma_start3A_565 = arith.constant 0 : i32
        %dma_start3A_566 = tpu.memref_slice %arg6[%dma_start3A_561, %dma_start3A_562, %dma_start3A_564, %dma_start3A_565] : memref<4x2x50x128xf32, #tpu.memory_space<vmem>> -> memref<1x1x50x128xf32, #tpu.memory_space<vmem>>
        %dma_start3A_567 = tpu.memref_squeeze %dma_start3A_566 : memref<1x1x50x128xf32, #tpu.memory_space<vmem>> -> memref<50x128xf32, #tpu.memory_space<vmem>>
        %dma_start3A_568 = arith.constant 0 : i32
        %dma_start3A_569 = tpu.memref_slice %arg5[%add3A_560, %dma_start3A_568] : memref<128x50xi32, #tpu.memory_space<vmem>> -> memref<1x50xi32, #tpu.memory_space<vmem>>
        %dma_start3A_570 = tpu.memref_squeeze %dma_start3A_569 : memref<1x50xi32, #tpu.memory_space<vmem>> -> memref<50xi32, #tpu.memory_space<vmem>>
        %dma_start3A_571 = arith.constant 0 : i32
        %dma_start3A_572 = arith.constant 0 : i32
        %dma_start3A_573 = tpu.memref_slice %arg7[%dma_start3A_571, %dma_start3A_572] : memref<367x128xf32, #tpu.memory_space<vmem_shared>> -> memref<367x128xf32, #tpu.memory_space<vmem_shared>>
        %dma_start3A_574 = tpu.memref_slice %arg8[%dma_start3A_563] : memref<4x!tpu.dma_semaphore, #tpu.memory_space<semaphore_mem>> -> memref<1x!tpu.dma_semaphore, #tpu.memory_space<semaphore_mem>>
        %dma_start3A_575 = tpu.memref_squeeze %dma_start3A_574 : memref<1x!tpu.dma_semaphore, #tpu.memory_space<semaphore_mem>> -> memref<!tpu.dma_semaphore, #tpu.memory_space<semaphore_mem>>
        tpu.enqueue_indirect_dma source(%dma_start3A_573 : memref<367x128xf32, #tpu.memory_space<vmem_shared>>) target(%dma_start3A_567 : memref<50x128xf32, #tpu.memory_space<vmem>>) offsets(%dma_start3A_570 : memref<50xi32, #tpu.memory_space<vmem>>) semaphore(%dma_start3A_575 : memref<!tpu.dma_semaphore, #tpu.memory_space<semaphore_mem>>)
      } else {
      }
      %add3A_487 = arith.constant 4 : i32
      %add3A_488 = arith.addi %mul3A_218, %add3A_487 : i32
      %add3A_489 = arith.constant 1 : i32
      %add3A_490 = arith.addi %add3A_488, %add3A_489 : i32
      %lt3A_491 = arith.constant 64 : i32
      %lt3A_492 = arith.cmpi slt, %add3A_490, %lt3A_491 : i32
      %convert_element_type3A_493 = arith.extui %lt3A_492 : i1 to i32
      %cond3A_494 = arith.constant 0 : i32
      %cond3A_495 = arith.cmpi ne, %convert_element_type3A_493, %cond3A_494 : i32
      scf.if %cond3A_495 {
        %dma_wait3A_514 = arith.constant 1 : i32
        %dma_wait3A_515 = arith.constant 1 : i32
        %dma_wait3A_516 = arith.constant 0 : i32
        %dma_wait3A_517 = arith.constant 0 : i32
        %dma_wait3A_518 = arith.constant 0 : i32
        %dma_wait3A_519 = tpu.memref_slice %arg6[%dma_wait3A_514, %dma_wait3A_516, %dma_wait3A_517, %dma_wait3A_518] : memref<4x2x50x128xf32, #tpu.memory_space<vmem>> -> memref<1x2x50x128xf32, #tpu.memory_space<vmem>>
        %dma_wait3A_520 = tpu.memref_squeeze %dma_wait3A_519 : memref<1x2x50x128xf32, #tpu.memory_space<vmem>> -> memref<2x50x128xf32, #tpu.memory_space<vmem>>
        %dma_wait3A_521 = arith.constant 0 : i32
        %dma_wait3A_522 = arith.constant 0 : i32
        %dma_wait3A_523 = tpu.memref_slice %arg4[%mul3A_2, %dma_wait3A_521, %dma_wait3A_522] : memref<4096x50x128xf32, #tpu.memory_space<hbm>> -> memref<2x50x128xf32, #tpu.memory_space<hbm>>
        %dma_wait3A_524 = tpu.memref_slice %arg9[%dma_wait3A_515] : memref<4x!tpu.dma_semaphore, #tpu.memory_space<semaphore_mem>> -> memref<1x!tpu.dma_semaphore, #tpu.memory_space<semaphore_mem>>
        %dma_wait3A_525 = tpu.memref_squeeze %dma_wait3A_524 : memref<1x!tpu.dma_semaphore, #tpu.memory_space<semaphore_mem>> -> memref<!tpu.dma_semaphore, #tpu.memory_space<semaphore_mem>>
        %dma_wait3A_526 = arith.constant 0 : i32
        %dma_wait3A_527 = arith.constant 0 : i32
        %dma_wait3A_528 = tpu.memref_slice %arg4[%mul3A_2, %dma_wait3A_526, %dma_wait3A_527] : memref<4096x50x128xf32, #tpu.memory_space<hbm>> -> memref<2x50x128xf32, #tpu.memory_space<hbm>>
        %dma_wait3A_529 = arith.constant 0 : i32
        %dma_wait3A_530 = arith.constant 0 : i32
        %dma_wait3A_531 = arith.constant 0 : i32
        %dma_wait3A_532 = tpu.memref_slice %arg6[%dma_wait3A_514, %dma_wait3A_529, %dma_wait3A_530, %dma_wait3A_531] : memref<4x2x50x128xf32, #tpu.memory_space<vmem>> -> memref<1x2x50x128xf32, #tpu.memory_space<vmem>>
        %dma_wait3A_533 = tpu.memref_squeeze %dma_wait3A_532 : memref<1x2x50x128xf32, #tpu.memory_space<vmem>> -> memref<2x50x128xf32, #tpu.memory_space<vmem>>
        tpu.wait_dma2 semaphore(%dma_wait3A_525 : memref<!tpu.dma_semaphore, #tpu.memory_space<semaphore_mem>>) src(%dma_wait3A_533 : memref<2x50x128xf32, #tpu.memory_space<vmem>>) dst(%dma_wait3A_528 : memref<2x50x128xf32, #tpu.memory_space<hbm>>)
        %add3A_534 = arith.constant 4 : i32
        %add3A_535 = arith.addi %mul3A_218, %add3A_534 : i32
        %add3A_536 = arith.constant 1 : i32
        %add3A_537 = arith.addi %add3A_535, %add3A_536 : i32
        %mul3A_538 = arith.constant 2 : i32
        %mul3A_539 = arith.muli %add3A_537, %mul3A_538 : i32
        %add3A_540 = arith.constant 0 : i32
        %add3A_541 = arith.addi %mul3A_539, %add3A_540 : i32
        %dma_start3A_542 = arith.constant 1 : i32
        %dma_start3A_543 = arith.constant 0 : i32
        %dma_start3A_544 = arith.constant 1 : i32
        %dma_start3A_545 = arith.constant 0 : i32
        %dma_start3A_546 = arith.constant 0 : i32
        %dma_start3A_547 = tpu.memref_slice %arg6[%dma_start3A_542, %dma_start3A_543, %dma_start3A_545, %dma_start3A_546] : memref<4x2x50x128xf32, #tpu.memory_space<vmem>> -> memref<1x1x50x128xf32, #tpu.memory_space<vmem>>
        %dma_start3A_548 = tpu.memref_squeeze %dma_start3A_547 : memref<1x1x50x128xf32, #tpu.memory_space<vmem>> -> memref<50x128xf32, #tpu.memory_space<vmem>>
        %dma_start3A_549 = arith.constant 0 : i32
        %dma_start3A_550 = tpu.memref_slice %arg5[%add3A_541, %dma_start3A_549] : memref<128x50xi32, #tpu.memory_space<vmem>> -> memref<1x50xi32, #tpu.memory_space<vmem>>
        %dma_start3A_551 = tpu.memref_squeeze %dma_start3A_550 : memref<1x50xi32, #tpu.memory_space<vmem>> -> memref<50xi32, #tpu.memory_space<vmem>>
        %dma_start3A_552 = arith.constant 0 : i32
        %dma_start3A_553 = arith.constant 0 : i32
        %dma_start3A_554 = tpu.memref_slice %arg7[%dma_start3A_552, %dma_start3A_553] : memref<367x128xf32, #tpu.memory_space<vmem_shared>> -> memref<367x128xf32, #tpu.memory_space<vmem_shared>>
        %dma_start3A_555 = tpu.memref_slice %arg8[%dma_start3A_544] : memref<4x!tpu.dma_semaphore, #tpu.memory_space<semaphore_mem>> -> memref<1x!tpu.dma_semaphore, #tpu.memory_space<semaphore_mem>>
        %dma_start3A_556 = tpu.memref_squeeze %dma_start3A_555 : memref<1x!tpu.dma_semaphore, #tpu.memory_space<semaphore_mem>> -> memref<!tpu.dma_semaphore, #tpu.memory_space<semaphore_mem>>
        tpu.enqueue_indirect_dma source(%dma_start3A_554 : memref<367x128xf32, #tpu.memory_space<vmem_shared>>) target(%dma_start3A_548 : memref<50x128xf32, #tpu.memory_space<vmem>>) offsets(%dma_start3A_551 : memref<50xi32, #tpu.memory_space<vmem>>) semaphore(%dma_start3A_556 : memref<!tpu.dma_semaphore, #tpu.memory_space<semaphore_mem>>)
        %mul3A_557 = arith.constant 2 : i32
        %mul3A_558 = arith.muli %add3A_537, %mul3A_557 : i32
        %add3A_559 = arith.constant 1 : i32
        %add3A_560 = arith.addi %mul3A_558, %add3A_559 : i32
        %dma_start3A_561 = arith.constant 1 : i32
        %dma_start3A_562 = arith.constant 1 : i32
        %dma_start3A_563 = arith.constant 1 : i32
        %dma_start3A_564 = arith.constant 0 : i32
        %dma_start3A_565 = arith.constant 0 : i32
        %dma_start3A_566 = tpu.memref_slice %arg6[%dma_start3A_561, %dma_start3A_562, %dma_start3A_564, %dma_start3A_565] : memref<4x2x50x128xf32, #tpu.memory_space<vmem>> -> memref<1x1x50x128xf32, #tpu.memory_space<vmem>>
        %dma_start3A_567 = tpu.memref_squeeze %dma_start3A_566 : memref<1x1x50x128xf32, #tpu.memory_space<vmem>> -> memref<50x128xf32, #tpu.memory_space<vmem>>
        %dma_start3A_568 = arith.constant 0 : i32
        %dma_start3A_569 = tpu.memref_slice %arg5[%add3A_560, %dma_start3A_568] : memref<128x50xi32, #tpu.memory_space<vmem>> -> memref<1x50xi32, #tpu.memory_space<vmem>>
        %dma_start3A_570 = tpu.memref_squeeze %dma_start3A_569 : memref<1x50xi32, #tpu.memory_space<vmem>> -> memref<50xi32, #tpu.memory_space<vmem>>
        %dma_start3A_571 = arith.constant 0 : i32
        %dma_start3A_572 = arith.constant 0 : i32
        %dma_start3A_573 = tpu.memref_slice %arg7[%dma_start3A_571, %dma_start3A_572] : memref<367x128xf32, #tpu.memory_space<vmem_shared>> -> memref<367x128xf32, #tpu.memory_space<vmem_shared>>
        %dma_start3A_574 = tpu.memref_slice %arg8[%dma_start3A_563] : memref<4x!tpu.dma_semaphore, #tpu.memory_space<semaphore_mem>> -> memref<1x!tpu.dma_semaphore, #tpu.memory_space<semaphore_mem>>
        %dma_start3A_575 = tpu.memref_squeeze %dma_start3A_574 : memref<1x!tpu.dma_semaphore, #tpu.memory_space<semaphore_mem>> -> memref<!tpu.dma_semaphore, #tpu.memory_space<semaphore_mem>>
        tpu.enqueue_indirect_dma source(%dma_start3A_573 : memref<367x128xf32, #tpu.memory_space<vmem_shared>>) target(%dma_start3A_567 : memref<50x128xf32, #tpu.memory_space<vmem>>) offsets(%dma_start3A_570 : memref<50xi32, #tpu.memory_space<vmem>>) semaphore(%dma_start3A_575 : memref<!tpu.dma_semaphore, #tpu.memory_space<semaphore_mem>>)
      } else {
      }
      %add3A_496 = arith.constant 4 : i32
      %add3A_497 = arith.addi %mul3A_218, %add3A_496 : i32
      %add3A_498 = arith.constant 2 : i32
      %add3A_499 = arith.addi %add3A_497, %add3A_498 : i32
      %lt3A_500 = arith.constant 64 : i32
      %lt3A_501 = arith.cmpi slt, %add3A_499, %lt3A_500 : i32
      %convert_element_type3A_502 = arith.extui %lt3A_501 : i1 to i32
      %cond3A_503 = arith.constant 0 : i32
      %cond3A_504 = arith.cmpi ne, %convert_element_type3A_502, %cond3A_503 : i32
      scf.if %cond3A_504 {
        %dma_wait3A_514 = arith.constant 2 : i32
        %dma_wait3A_515 = arith.constant 2 : i32
        %dma_wait3A_516 = arith.constant 0 : i32
        %dma_wait3A_517 = arith.constant 0 : i32
        %dma_wait3A_518 = arith.constant 0 : i32
        %dma_wait3A_519 = tpu.memref_slice %arg6[%dma_wait3A_514, %dma_wait3A_516, %dma_wait3A_517, %dma_wait3A_518] : memref<4x2x50x128xf32, #tpu.memory_space<vmem>> -> memref<1x2x50x128xf32, #tpu.memory_space<vmem>>
        %dma_wait3A_520 = tpu.memref_squeeze %dma_wait3A_519 : memref<1x2x50x128xf32, #tpu.memory_space<vmem>> -> memref<2x50x128xf32, #tpu.memory_space<vmem>>
        %dma_wait3A_521 = arith.constant 0 : i32
        %dma_wait3A_522 = arith.constant 0 : i32
        %dma_wait3A_523 = tpu.memref_slice %arg4[%mul3A_2, %dma_wait3A_521, %dma_wait3A_522] : memref<4096x50x128xf32, #tpu.memory_space<hbm>> -> memref<2x50x128xf32, #tpu.memory_space<hbm>>
        %dma_wait3A_524 = tpu.memref_slice %arg9[%dma_wait3A_515] : memref<4x!tpu.dma_semaphore, #tpu.memory_space<semaphore_mem>> -> memref<1x!tpu.dma_semaphore, #tpu.memory_space<semaphore_mem>>
        %dma_wait3A_525 = tpu.memref_squeeze %dma_wait3A_524 : memref<1x!tpu.dma_semaphore, #tpu.memory_space<semaphore_mem>> -> memref<!tpu.dma_semaphore, #tpu.memory_space<semaphore_mem>>
        %dma_wait3A_526 = arith.constant 0 : i32
        %dma_wait3A_527 = arith.constant 0 : i32
        %dma_wait3A_528 = tpu.memref_slice %arg4[%mul3A_2, %dma_wait3A_526, %dma_wait3A_527] : memref<4096x50x128xf32, #tpu.memory_space<hbm>> -> memref<2x50x128xf32, #tpu.memory_space<hbm>>
        %dma_wait3A_529 = arith.constant 0 : i32
        %dma_wait3A_530 = arith.constant 0 : i32
        %dma_wait3A_531 = arith.constant 0 : i32
        %dma_wait3A_532 = tpu.memref_slice %arg6[%dma_wait3A_514, %dma_wait3A_529, %dma_wait3A_530, %dma_wait3A_531] : memref<4x2x50x128xf32, #tpu.memory_space<vmem>> -> memref<1x2x50x128xf32, #tpu.memory_space<vmem>>
        %dma_wait3A_533 = tpu.memref_squeeze %dma_wait3A_532 : memref<1x2x50x128xf32, #tpu.memory_space<vmem>> -> memref<2x50x128xf32, #tpu.memory_space<vmem>>
        tpu.wait_dma2 semaphore(%dma_wait3A_525 : memref<!tpu.dma_semaphore, #tpu.memory_space<semaphore_mem>>) src(%dma_wait3A_533 : memref<2x50x128xf32, #tpu.memory_space<vmem>>) dst(%dma_wait3A_528 : memref<2x50x128xf32, #tpu.memory_space<hbm>>)
        %add3A_534 = arith.constant 4 : i32
        %add3A_535 = arith.addi %mul3A_218, %add3A_534 : i32
        %add3A_536 = arith.constant 2 : i32
        %add3A_537 = arith.addi %add3A_535, %add3A_536 : i32
        %mul3A_538 = arith.constant 2 : i32
        %mul3A_539 = arith.muli %add3A_537, %mul3A_538 : i32
        %add3A_540 = arith.constant 0 : i32
        %add3A_541 = arith.addi %mul3A_539, %add3A_540 : i32
        %dma_start3A_542 = arith.constant 2 : i32
        %dma_start3A_543 = arith.constant 0 : i32
        %dma_start3A_544 = arith.constant 2 : i32
        %dma_start3A_545 = arith.constant 0 : i32
        %dma_start3A_546 = arith.constant 0 : i32
        %dma_start3A_547 = tpu.memref_slice %arg6[%dma_start3A_542, %dma_start3A_543, %dma_start3A_545, %dma_start3A_546] : memref<4x2x50x128xf32, #tpu.memory_space<vmem>> -> memref<1x1x50x128xf32, #tpu.memory_space<vmem>>
        %dma_start3A_548 = tpu.memref_squeeze %dma_start3A_547 : memref<1x1x50x128xf32, #tpu.memory_space<vmem>> -> memref<50x128xf32, #tpu.memory_space<vmem>>
        %dma_start3A_549 = arith.constant 0 : i32
        %dma_start3A_550 = tpu.memref_slice %arg5[%add3A_541, %dma_start3A_549] : memref<128x50xi32, #tpu.memory_space<vmem>> -> memref<1x50xi32, #tpu.memory_space<vmem>>
        %dma_start3A_551 = tpu.memref_squeeze %dma_start3A_550 : memref<1x50xi32, #tpu.memory_space<vmem>> -> memref<50xi32, #tpu.memory_space<vmem>>
        %dma_start3A_552 = arith.constant 0 : i32
        %dma_start3A_553 = arith.constant 0 : i32
        %dma_start3A_554 = tpu.memref_slice %arg7[%dma_start3A_552, %dma_start3A_553] : memref<367x128xf32, #tpu.memory_space<vmem_shared>> -> memref<367x128xf32, #tpu.memory_space<vmem_shared>>
        %dma_start3A_555 = tpu.memref_slice %arg8[%dma_start3A_544] : memref<4x!tpu.dma_semaphore, #tpu.memory_space<semaphore_mem>> -> memref<1x!tpu.dma_semaphore, #tpu.memory_space<semaphore_mem>>
        %dma_start3A_556 = tpu.memref_squeeze %dma_start3A_555 : memref<1x!tpu.dma_semaphore, #tpu.memory_space<semaphore_mem>> -> memref<!tpu.dma_semaphore, #tpu.memory_space<semaphore_mem>>
        tpu.enqueue_indirect_dma source(%dma_start3A_554 : memref<367x128xf32, #tpu.memory_space<vmem_shared>>) target(%dma_start3A_548 : memref<50x128xf32, #tpu.memory_space<vmem>>) offsets(%dma_start3A_551 : memref<50xi32, #tpu.memory_space<vmem>>) semaphore(%dma_start3A_556 : memref<!tpu.dma_semaphore, #tpu.memory_space<semaphore_mem>>)
        %mul3A_557 = arith.constant 2 : i32
        %mul3A_558 = arith.muli %add3A_537, %mul3A_557 : i32
        %add3A_559 = arith.constant 1 : i32
        %add3A_560 = arith.addi %mul3A_558, %add3A_559 : i32
        %dma_start3A_561 = arith.constant 2 : i32
        %dma_start3A_562 = arith.constant 1 : i32
        %dma_start3A_563 = arith.constant 2 : i32
        %dma_start3A_564 = arith.constant 0 : i32
        %dma_start3A_565 = arith.constant 0 : i32
        %dma_start3A_566 = tpu.memref_slice %arg6[%dma_start3A_561, %dma_start3A_562, %dma_start3A_564, %dma_start3A_565] : memref<4x2x50x128xf32, #tpu.memory_space<vmem>> -> memref<1x1x50x128xf32, #tpu.memory_space<vmem>>
        %dma_start3A_567 = tpu.memref_squeeze %dma_start3A_566 : memref<1x1x50x128xf32, #tpu.memory_space<vmem>> -> memref<50x128xf32, #tpu.memory_space<vmem>>
        %dma_start3A_568 = arith.constant 0 : i32
        %dma_start3A_569 = tpu.memref_slice %arg5[%add3A_560, %dma_start3A_568] : memref<128x50xi32, #tpu.memory_space<vmem>> -> memref<1x50xi32, #tpu.memory_space<vmem>>
        %dma_start3A_570 = tpu.memref_squeeze %dma_start3A_569 : memref<1x50xi32, #tpu.memory_space<vmem>> -> memref<50xi32, #tpu.memory_space<vmem>>
        %dma_start3A_571 = arith.constant 0 : i32
        %dma_start3A_572 = arith.constant 0 : i32
        %dma_start3A_573 = tpu.memref_slice %arg7[%dma_start3A_571, %dma_start3A_572] : memref<367x128xf32, #tpu.memory_space<vmem_shared>> -> memref<367x128xf32, #tpu.memory_space<vmem_shared>>
        %dma_start3A_574 = tpu.memref_slice %arg8[%dma_start3A_563] : memref<4x!tpu.dma_semaphore, #tpu.memory_space<semaphore_mem>> -> memref<1x!tpu.dma_semaphore, #tpu.memory_space<semaphore_mem>>
        %dma_start3A_575 = tpu.memref_squeeze %dma_start3A_574 : memref<1x!tpu.dma_semaphore, #tpu.memory_space<semaphore_mem>> -> memref<!tpu.dma_semaphore, #tpu.memory_space<semaphore_mem>>
        tpu.enqueue_indirect_dma source(%dma_start3A_573 : memref<367x128xf32, #tpu.memory_space<vmem_shared>>) target(%dma_start3A_567 : memref<50x128xf32, #tpu.memory_space<vmem>>) offsets(%dma_start3A_570 : memref<50xi32, #tpu.memory_space<vmem>>) semaphore(%dma_start3A_575 : memref<!tpu.dma_semaphore, #tpu.memory_space<semaphore_mem>>)
      } else {
      }
      %add3A_505 = arith.constant 4 : i32
      %add3A_506 = arith.addi %mul3A_218, %add3A_505 : i32
      %add3A_507 = arith.constant 3 : i32
      %add3A_508 = arith.addi %add3A_506, %add3A_507 : i32
      %lt3A_509 = arith.constant 64 : i32
      %lt3A_510 = arith.cmpi slt, %add3A_508, %lt3A_509 : i32
      %convert_element_type3A_511 = arith.extui %lt3A_510 : i1 to i32
      %cond3A_512 = arith.constant 0 : i32
      %cond3A_513 = arith.cmpi ne, %convert_element_type3A_511, %cond3A_512 : i32
      scf.if %cond3A_513 {
        %dma_wait3A_514 = arith.constant 3 : i32
        %dma_wait3A_515 = arith.constant 3 : i32
        %dma_wait3A_516 = arith.constant 0 : i32
        %dma_wait3A_517 = arith.constant 0 : i32
        %dma_wait3A_518 = arith.constant 0 : i32
        %dma_wait3A_519 = tpu.memref_slice %arg6[%dma_wait3A_514, %dma_wait3A_516, %dma_wait3A_517, %dma_wait3A_518] : memref<4x2x50x128xf32, #tpu.memory_space<vmem>> -> memref<1x2x50x128xf32, #tpu.memory_space<vmem>>
        %dma_wait3A_520 = tpu.memref_squeeze %dma_wait3A_519 : memref<1x2x50x128xf32, #tpu.memory_space<vmem>> -> memref<2x50x128xf32, #tpu.memory_space<vmem>>
        %dma_wait3A_521 = arith.constant 0 : i32
        %dma_wait3A_522 = arith.constant 0 : i32
        %dma_wait3A_523 = tpu.memref_slice %arg4[%mul3A_2, %dma_wait3A_521, %dma_wait3A_522] : memref<4096x50x128xf32, #tpu.memory_space<hbm>> -> memref<2x50x128xf32, #tpu.memory_space<hbm>>
        %dma_wait3A_524 = tpu.memref_slice %arg9[%dma_wait3A_515] : memref<4x!tpu.dma_semaphore, #tpu.memory_space<semaphore_mem>> -> memref<1x!tpu.dma_semaphore, #tpu.memory_space<semaphore_mem>>
        %dma_wait3A_525 = tpu.memref_squeeze %dma_wait3A_524 : memref<1x!tpu.dma_semaphore, #tpu.memory_space<semaphore_mem>> -> memref<!tpu.dma_semaphore, #tpu.memory_space<semaphore_mem>>
        %dma_wait3A_526 = arith.constant 0 : i32
        %dma_wait3A_527 = arith.constant 0 : i32
        %dma_wait3A_528 = tpu.memref_slice %arg4[%mul3A_2, %dma_wait3A_526, %dma_wait3A_527] : memref<4096x50x128xf32, #tpu.memory_space<hbm>> -> memref<2x50x128xf32, #tpu.memory_space<hbm>>
        %dma_wait3A_529 = arith.constant 0 : i32
        %dma_wait3A_530 = arith.constant 0 : i32
        %dma_wait3A_531 = arith.constant 0 : i32
        %dma_wait3A_532 = tpu.memref_slice %arg6[%dma_wait3A_514, %dma_wait3A_529, %dma_wait3A_530, %dma_wait3A_531] : memref<4x2x50x128xf32, #tpu.memory_space<vmem>> -> memref<1x2x50x128xf32, #tpu.memory_space<vmem>>
        %dma_wait3A_533 = tpu.memref_squeeze %dma_wait3A_532 : memref<1x2x50x128xf32, #tpu.memory_space<vmem>> -> memref<2x50x128xf32, #tpu.memory_space<vmem>>
        tpu.wait_dma2 semaphore(%dma_wait3A_525 : memref<!tpu.dma_semaphore, #tpu.memory_space<semaphore_mem>>) src(%dma_wait3A_533 : memref<2x50x128xf32, #tpu.memory_space<vmem>>) dst(%dma_wait3A_528 : memref<2x50x128xf32, #tpu.memory_space<hbm>>)
        %add3A_534 = arith.constant 4 : i32
        %add3A_535 = arith.addi %mul3A_218, %add3A_534 : i32
        %add3A_536 = arith.constant 3 : i32
        %add3A_537 = arith.addi %add3A_535, %add3A_536 : i32
        %mul3A_538 = arith.constant 2 : i32
        %mul3A_539 = arith.muli %add3A_537, %mul3A_538 : i32
        %add3A_540 = arith.constant 0 : i32
        %add3A_541 = arith.addi %mul3A_539, %add3A_540 : i32
        %dma_start3A_542 = arith.constant 3 : i32
        %dma_start3A_543 = arith.constant 0 : i32
        %dma_start3A_544 = arith.constant 3 : i32
        %dma_start3A_545 = arith.constant 0 : i32
        %dma_start3A_546 = arith.constant 0 : i32
        %dma_start3A_547 = tpu.memref_slice %arg6[%dma_start3A_542, %dma_start3A_543, %dma_start3A_545, %dma_start3A_546] : memref<4x2x50x128xf32, #tpu.memory_space<vmem>> -> memref<1x1x50x128xf32, #tpu.memory_space<vmem>>
        %dma_start3A_548 = tpu.memref_squeeze %dma_start3A_547 : memref<1x1x50x128xf32, #tpu.memory_space<vmem>> -> memref<50x128xf32, #tpu.memory_space<vmem>>
        %dma_start3A_549 = arith.constant 0 : i32
        %dma_start3A_550 = tpu.memref_slice %arg5[%add3A_541, %dma_start3A_549] : memref<128x50xi32, #tpu.memory_space<vmem>> -> memref<1x50xi32, #tpu.memory_space<vmem>>
        %dma_start3A_551 = tpu.memref_squeeze %dma_start3A_550 : memref<1x50xi32, #tpu.memory_space<vmem>> -> memref<50xi32, #tpu.memory_space<vmem>>
        %dma_start3A_552 = arith.constant 0 : i32
        %dma_start3A_553 = arith.constant 0 : i32
        %dma_start3A_554 = tpu.memref_slice %arg7[%dma_start3A_552, %dma_start3A_553] : memref<367x128xf32, #tpu.memory_space<vmem_shared>> -> memref<367x128xf32, #tpu.memory_space<vmem_shared>>
        %dma_start3A_555 = tpu.memref_slice %arg8[%dma_start3A_544] : memref<4x!tpu.dma_semaphore, #tpu.memory_space<semaphore_mem>> -> memref<1x!tpu.dma_semaphore, #tpu.memory_space<semaphore_mem>>
        %dma_start3A_556 = tpu.memref_squeeze %dma_start3A_555 : memref<1x!tpu.dma_semaphore, #tpu.memory_space<semaphore_mem>> -> memref<!tpu.dma_semaphore, #tpu.memory_space<semaphore_mem>>
        tpu.enqueue_indirect_dma source(%dma_start3A_554 : memref<367x128xf32, #tpu.memory_space<vmem_shared>>) target(%dma_start3A_548 : memref<50x128xf32, #tpu.memory_space<vmem>>) offsets(%dma_start3A_551 : memref<50xi32, #tpu.memory_space<vmem>>) semaphore(%dma_start3A_556 : memref<!tpu.dma_semaphore, #tpu.memory_space<semaphore_mem>>)
        %mul3A_557 = arith.constant 2 : i32
        %mul3A_558 = arith.muli %add3A_537, %mul3A_557 : i32
        %add3A_559 = arith.constant 1 : i32
        %add3A_560 = arith.addi %mul3A_558, %add3A_559 : i32
        %dma_start3A_561 = arith.constant 3 : i32
        %dma_start3A_562 = arith.constant 1 : i32
        %dma_start3A_563 = arith.constant 3 : i32
        %dma_start3A_564 = arith.constant 0 : i32
        %dma_start3A_565 = arith.constant 0 : i32
        %dma_start3A_566 = tpu.memref_slice %arg6[%dma_start3A_561, %dma_start3A_562, %dma_start3A_564, %dma_start3A_565] : memref<4x2x50x128xf32, #tpu.memory_space<vmem>> -> memref<1x1x50x128xf32, #tpu.memory_space<vmem>>
        %dma_start3A_567 = tpu.memref_squeeze %dma_start3A_566 : memref<1x1x50x128xf32, #tpu.memory_space<vmem>> -> memref<50x128xf32, #tpu.memory_space<vmem>>
        %dma_start3A_568 = arith.constant 0 : i32
        %dma_start3A_569 = tpu.memref_slice %arg5[%add3A_560, %dma_start3A_568] : memref<128x50xi32, #tpu.memory_space<vmem>> -> memref<1x50xi32, #tpu.memory_space<vmem>>
        %dma_start3A_570 = tpu.memref_squeeze %dma_start3A_569 : memref<1x50xi32, #tpu.memory_space<vmem>> -> memref<50xi32, #tpu.memory_space<vmem>>
        %dma_start3A_571 = arith.constant 0 : i32
        %dma_start3A_572 = arith.constant 0 : i32
        %dma_start3A_573 = tpu.memref_slice %arg7[%dma_start3A_571, %dma_start3A_572] : memref<367x128xf32, #tpu.memory_space<vmem_shared>> -> memref<367x128xf32, #tpu.memory_space<vmem_shared>>
        %dma_start3A_574 = tpu.memref_slice %arg8[%dma_start3A_563] : memref<4x!tpu.dma_semaphore, #tpu.memory_space<semaphore_mem>> -> memref<1x!tpu.dma_semaphore, #tpu.memory_space<semaphore_mem>>
        %dma_start3A_575 = tpu.memref_squeeze %dma_start3A_574 : memref<1x!tpu.dma_semaphore, #tpu.memory_space<semaphore_mem>> -> memref<!tpu.dma_semaphore, #tpu.memory_space<semaphore_mem>>
        tpu.enqueue_indirect_dma source(%dma_start3A_573 : memref<367x128xf32, #tpu.memory_space<vmem_shared>>) target(%dma_start3A_567 : memref<50x128xf32, #tpu.memory_space<vmem>>) offsets(%dma_start3A_570 : memref<50xi32, #tpu.memory_space<vmem>>) semaphore(%dma_start3A_575 : memref<!tpu.dma_semaphore, #tpu.memory_space<semaphore_mem>>)
      } else {
      }
    }
    %scan3A_136 = arith.constant 16 : i32
    %dma_wait3A = arith.constant 0 : i32
    %dma_wait3A_137 = arith.constant 0 : i32
    %dma_wait3A_138 = arith.constant 0 : i32
    %dma_wait3A_139 = arith.constant 0 : i32
    %dma_wait3A_140 = arith.constant 0 : i32
    %dma_wait3A_141 = tpu.memref_slice %arg6[%dma_wait3A, %dma_wait3A_138, %dma_wait3A_139, %dma_wait3A_140] : memref<4x2x50x128xf32, #tpu.memory_space<vmem>> -> memref<1x2x50x128xf32, #tpu.memory_space<vmem>>
    %dma_wait3A_142 = tpu.memref_squeeze %dma_wait3A_141 : memref<1x2x50x128xf32, #tpu.memory_space<vmem>> -> memref<2x50x128xf32, #tpu.memory_space<vmem>>
    %dma_wait3A_143 = arith.constant 0 : i32
    %dma_wait3A_144 = arith.constant 0 : i32
    %dma_wait3A_145 = tpu.memref_slice %arg4[%mul3A_2, %dma_wait3A_143, %dma_wait3A_144] : memref<4096x50x128xf32, #tpu.memory_space<hbm>> -> memref<2x50x128xf32, #tpu.memory_space<hbm>>
    %dma_wait3A_146 = tpu.memref_slice %arg9[%dma_wait3A_137] : memref<4x!tpu.dma_semaphore, #tpu.memory_space<semaphore_mem>> -> memref<1x!tpu.dma_semaphore, #tpu.memory_space<semaphore_mem>>
    %dma_wait3A_147 = tpu.memref_squeeze %dma_wait3A_146 : memref<1x!tpu.dma_semaphore, #tpu.memory_space<semaphore_mem>> -> memref<!tpu.dma_semaphore, #tpu.memory_space<semaphore_mem>>
    %dma_wait3A_148 = arith.constant 0 : i32
    %dma_wait3A_149 = arith.constant 0 : i32
    %dma_wait3A_150 = tpu.memref_slice %arg4[%mul3A_2, %dma_wait3A_148, %dma_wait3A_149] : memref<4096x50x128xf32, #tpu.memory_space<hbm>> -> memref<2x50x128xf32, #tpu.memory_space<hbm>>
    %dma_wait3A_151 = arith.constant 0 : i32
    %dma_wait3A_152 = arith.constant 0 : i32
    %dma_wait3A_153 = arith.constant 0 : i32
    %dma_wait3A_154 = tpu.memref_slice %arg6[%dma_wait3A, %dma_wait3A_151, %dma_wait3A_152, %dma_wait3A_153] : memref<4x2x50x128xf32, #tpu.memory_space<vmem>> -> memref<1x2x50x128xf32, #tpu.memory_space<vmem>>
    %dma_wait3A_155 = tpu.memref_squeeze %dma_wait3A_154 : memref<1x2x50x128xf32, #tpu.memory_space<vmem>> -> memref<2x50x128xf32, #tpu.memory_space<vmem>>
    tpu.wait_dma2 semaphore(%dma_wait3A_147 : memref<!tpu.dma_semaphore, #tpu.memory_space<semaphore_mem>>) src(%dma_wait3A_155 : memref<2x50x128xf32, #tpu.memory_space<vmem>>) dst(%dma_wait3A_150 : memref<2x50x128xf32, #tpu.memory_space<hbm>>)
    %dma_wait3A_156 = arith.constant 1 : i32
    %dma_wait3A_157 = arith.constant 1 : i32
    %dma_wait3A_158 = arith.constant 0 : i32
    %dma_wait3A_159 = arith.constant 0 : i32
    %dma_wait3A_160 = arith.constant 0 : i32
    %dma_wait3A_161 = tpu.memref_slice %arg6[%dma_wait3A_156, %dma_wait3A_158, %dma_wait3A_159, %dma_wait3A_160] : memref<4x2x50x128xf32, #tpu.memory_space<vmem>> -> memref<1x2x50x128xf32, #tpu.memory_space<vmem>>
    %dma_wait3A_162 = tpu.memref_squeeze %dma_wait3A_161 : memref<1x2x50x128xf32, #tpu.memory_space<vmem>> -> memref<2x50x128xf32, #tpu.memory_space<vmem>>
    %dma_wait3A_163 = arith.constant 0 : i32
    %dma_wait3A_164 = arith.constant 0 : i32
    %dma_wait3A_165 = tpu.memref_slice %arg4[%mul3A_2, %dma_wait3A_163, %dma_wait3A_164] : memref<4096x50x128xf32, #tpu.memory_space<hbm>> -> memref<2x50x128xf32, #tpu.memory_space<hbm>>
    %dma_wait3A_166 = tpu.memref_slice %arg9[%dma_wait3A_157] : memref<4x!tpu.dma_semaphore, #tpu.memory_space<semaphore_mem>> -> memref<1x!tpu.dma_semaphore, #tpu.memory_space<semaphore_mem>>
    %dma_wait3A_167 = tpu.memref_squeeze %dma_wait3A_166 : memref<1x!tpu.dma_semaphore, #tpu.memory_space<semaphore_mem>> -> memref<!tpu.dma_semaphore, #tpu.memory_space<semaphore_mem>>
    %dma_wait3A_168 = arith.constant 0 : i32
    %dma_wait3A_169 = arith.constant 0 : i32
    %dma_wait3A_170 = tpu.memref_slice %arg4[%mul3A_2, %dma_wait3A_168, %dma_wait3A_169] : memref<4096x50x128xf32, #tpu.memory_space<hbm>> -> memref<2x50x128xf32, #tpu.memory_space<hbm>>
    %dma_wait3A_171 = arith.constant 0 : i32
    %dma_wait3A_172 = arith.constant 0 : i32
    %dma_wait3A_173 = arith.constant 0 : i32
    %dma_wait3A_174 = tpu.memref_slice %arg6[%dma_wait3A_156, %dma_wait3A_171, %dma_wait3A_172, %dma_wait3A_173] : memref<4x2x50x128xf32, #tpu.memory_space<vmem>> -> memref<1x2x50x128xf32, #tpu.memory_space<vmem>>
    %dma_wait3A_175 = tpu.memref_squeeze %dma_wait3A_174 : memref<1x2x50x128xf32, #tpu.memory_space<vmem>> -> memref<2x50x128xf32, #tpu.memory_space<vmem>>
    tpu.wait_dma2 semaphore(%dma_wait3A_167 : memref<!tpu.dma_semaphore, #tpu.memory_space<semaphore_mem>>) src(%dma_wait3A_175 : memref<2x50x128xf32, #tpu.memory_space<vmem>>) dst(%dma_wait3A_170 : memref<2x50x128xf32, #tpu.memory_space<hbm>>)
    %dma_wait3A_176 = arith.constant 2 : i32
    %dma_wait3A_177 = arith.constant 2 : i32
    %dma_wait3A_178 = arith.constant 0 : i32
    %dma_wait3A_179 = arith.constant 0 : i32
    %dma_wait3A_180 = arith.constant 0 : i32
    %dma_wait3A_181 = tpu.memref_slice %arg6[%dma_wait3A_176, %dma_wait3A_178, %dma_wait3A_179, %dma_wait3A_180] : memref<4x2x50x128xf32, #tpu.memory_space<vmem>> -> memref<1x2x50x128xf32, #tpu.memory_space<vmem>>
    %dma_wait3A_182 = tpu.memref_squeeze %dma_wait3A_181 : memref<1x2x50x128xf32, #tpu.memory_space<vmem>> -> memref<2x50x128xf32, #tpu.memory_space<vmem>>
    %dma_wait3A_183 = arith.constant 0 : i32
    %dma_wait3A_184 = arith.constant 0 : i32
    %dma_wait3A_185 = tpu.memref_slice %arg4[%mul3A_2, %dma_wait3A_183, %dma_wait3A_184] : memref<4096x50x128xf32, #tpu.memory_space<hbm>> -> memref<2x50x128xf32, #tpu.memory_space<hbm>>
    %dma_wait3A_186 = tpu.memref_slice %arg9[%dma_wait3A_177] : memref<4x!tpu.dma_semaphore, #tpu.memory_space<semaphore_mem>> -> memref<1x!tpu.dma_semaphore, #tpu.memory_space<semaphore_mem>>
    %dma_wait3A_187 = tpu.memref_squeeze %dma_wait3A_186 : memref<1x!tpu.dma_semaphore, #tpu.memory_space<semaphore_mem>> -> memref<!tpu.dma_semaphore, #tpu.memory_space<semaphore_mem>>
    %dma_wait3A_188 = arith.constant 0 : i32
    %dma_wait3A_189 = arith.constant 0 : i32
    %dma_wait3A_190 = tpu.memref_slice %arg4[%mul3A_2, %dma_wait3A_188, %dma_wait3A_189] : memref<4096x50x128xf32, #tpu.memory_space<hbm>> -> memref<2x50x128xf32, #tpu.memory_space<hbm>>
    %dma_wait3A_191 = arith.constant 0 : i32
    %dma_wait3A_192 = arith.constant 0 : i32
    %dma_wait3A_193 = arith.constant 0 : i32
    %dma_wait3A_194 = tpu.memref_slice %arg6[%dma_wait3A_176, %dma_wait3A_191, %dma_wait3A_192, %dma_wait3A_193] : memref<4x2x50x128xf32, #tpu.memory_space<vmem>> -> memref<1x2x50x128xf32, #tpu.memory_space<vmem>>
    %dma_wait3A_195 = tpu.memref_squeeze %dma_wait3A_194 : memref<1x2x50x128xf32, #tpu.memory_space<vmem>> -> memref<2x50x128xf32, #tpu.memory_space<vmem>>
    tpu.wait_dma2 semaphore(%dma_wait3A_187 : memref<!tpu.dma_semaphore, #tpu.memory_space<semaphore_mem>>) src(%dma_wait3A_195 : memref<2x50x128xf32, #tpu.memory_space<vmem>>) dst(%dma_wait3A_190 : memref<2x50x128xf32, #tpu.memory_space<hbm>>)
    %dma_wait3A_196 = arith.constant 3 : i32
    %dma_wait3A_197 = arith.constant 3 : i32
    %dma_wait3A_198 = arith.constant 0 : i32
    %dma_wait3A_199 = arith.constant 0 : i32
    %dma_wait3A_200 = arith.constant 0 : i32
    %dma_wait3A_201 = tpu.memref_slice %arg6[%dma_wait3A_196, %dma_wait3A_198, %dma_wait3A_199, %dma_wait3A_200] : memref<4x2x50x128xf32, #tpu.memory_space<vmem>> -> memref<1x2x50x128xf32, #tpu.memory_space<vmem>>
    %dma_wait3A_202 = tpu.memref_squeeze %dma_wait3A_201 : memref<1x2x50x128xf32, #tpu.memory_space<vmem>> -> memref<2x50x128xf32, #tpu.memory_space<vmem>>
    %dma_wait3A_203 = arith.constant 0 : i32
    %dma_wait3A_204 = arith.constant 0 : i32
    %dma_wait3A_205 = tpu.memref_slice %arg4[%mul3A_2, %dma_wait3A_203, %dma_wait3A_204] : memref<4096x50x128xf32, #tpu.memory_space<hbm>> -> memref<2x50x128xf32, #tpu.memory_space<hbm>>
    %dma_wait3A_206 = tpu.memref_slice %arg9[%dma_wait3A_197] : memref<4x!tpu.dma_semaphore, #tpu.memory_space<semaphore_mem>> -> memref<1x!tpu.dma_semaphore, #tpu.memory_space<semaphore_mem>>
    %dma_wait3A_207 = tpu.memref_squeeze %dma_wait3A_206 : memref<1x!tpu.dma_semaphore, #tpu.memory_space<semaphore_mem>> -> memref<!tpu.dma_semaphore, #tpu.memory_space<semaphore_mem>>
    %dma_wait3A_208 = arith.constant 0 : i32
    %dma_wait3A_209 = arith.constant 0 : i32
    %dma_wait3A_210 = tpu.memref_slice %arg4[%mul3A_2, %dma_wait3A_208, %dma_wait3A_209] : memref<4096x50x128xf32, #tpu.memory_space<hbm>> -> memref<2x50x128xf32, #tpu.memory_space<hbm>>
    %dma_wait3A_211 = arith.constant 0 : i32
    %dma_wait3A_212 = arith.constant 0 : i32
    %dma_wait3A_213 = arith.constant 0 : i32
    %dma_wait3A_214 = tpu.memref_slice %arg6[%dma_wait3A_196, %dma_wait3A_211, %dma_wait3A_212, %dma_wait3A_213] : memref<4x2x50x128xf32, #tpu.memory_space<vmem>> -> memref<1x2x50x128xf32, #tpu.memory_space<vmem>>
    %dma_wait3A_215 = tpu.memref_squeeze %dma_wait3A_214 : memref<1x2x50x128xf32, #tpu.memory_space<vmem>> -> memref<2x50x128xf32, #tpu.memory_space<vmem>>
    tpu.wait_dma2 semaphore(%dma_wait3A_207 : memref<!tpu.dma_semaphore, #tpu.memory_space<semaphore_mem>>) src(%dma_wait3A_215 : memref<2x50x128xf32, #tpu.memory_space<vmem>>) dst(%dma_wait3A_210 : memref<2x50x128xf32, #tpu.memory_space<hbm>>)
    return
  }
}

</mosaic_0001>

<sc_bundles>
// kernel: kernel.3.cloned.1.call-start
scs
__scs_entry_jumppad:
0x0: {  	(pc) =	sbr.rel $0x88, $3  }
0x1: {  	(tag) =	ssettag $0x0;
	lr =	simm.s32 $0x1  }
0x2: {  	[smem:$0x3F9F] =	sst lr;
	_ =	strace $0xD0000000  }
0x3: {  	_ = 	snop  }
0x4: {  	_ = 	snop  }
0x5: {  	_ = 	snop  }
0x6: {  	_ = 	snop  }
0x7: {  	_ = 	snop  }
__scs_overlays_trampoline_lowered:
0x8: {  	[smem:$0x3FAE] =	sst s0  }
0x9: {  	[smem:$0x3FAF] =	sst s1  }
0xa: {  	[smem:$0x3FB0] =	sst s2  }
0xb: {  	[smem:$0x3FB1] =	sst s3  }
0xc: {  	[smem:$0x3FB2] =	sst s4  }
0xd: {  	[smem:$0x3FB3] =	sst s5  }
0xe: {  	[smem:$0x3FB4] =	sst s6  }
0xf: {  	[smem:$0x3FB5] =	sst s7  }
0x10: {  	[smem:$0x3FB6] =	sst s8  }
0x11: {  	[smem:$0x3FB7] =	sst s9;
	s0 =	simm.s32 @!p0 $0x0  }
0x12: {  	s1 =	sld [smem:$0x3F9D];
	s0 =	simm.s32 @p0 $0x1  }
0x13: {  	[smem:$0x3FB8] =	sst s0;
	s0 =	simm.s32 @!p1 $0x0  }
0x14: {  	s2 =	sld [smem:$0x3F9C];
	s0 =	simm.s32 @p1 $0x1  }
0x15: {  	[smem:$0x3FB9] =	sst s0;
	s0 =	simm.s32 @!p2 $0x0  }
0x16: {  	s3 =	sld [smem:$0x3FDB];
	s0 =	simm.s32 @p2 $0x1  }
0x17: {  	s4 =	simm.s32 $0x1BF5;
	[smem:$0x3FBB] =	sst s0  }
0x18: {  	s0 =	sld [smem:$0x3F9E];
	_ =	swait.ge [sflag:s4], $0x0  }
0x19: {  	s7 =	sld [smem:$0x3F9F]  }
0x1a: {  	s8 =	sadd.s32 $0xFFFFE003, lr  }
0x1b: {  	s9 =	sadd.s32 $0xFFFFFEF7, lr;
	s5 =	simm.s32 $0xFFFFFFFF;
	p2 =	slt.u32 s8, $0xFFFFF086  }
0x1c: {  	p1 =	slt.u32 s9, $0xF7A;
	s5 =	simm.s32 @!p2 $0x0  }
0x1d: {  	s5 =	simm.s32 @p1 $0x1;
	p0 =	seq.s32 s7, s2  }
0x1e: {  	s7 =	smul.u32 @!p0 $0xF7A, s2;
	p2 =	seq.s32 @!p0 s5, $0x0  }
0x1f: {  	s9 =	smul.u32 $0xF7A, s1;
	s8 =	simm.s32 @!p0 $0x1BF5;
	p2 =	por !p2, p0  }
0x20: {  	[sflag:s8] =	ssyncset.s32 @!p0 $0xFFFFF086;
	s6 =	sadd.s32 @!p0 s3, s7;
	s7 =	simm.s32 @!p0 $0x108  }
0x21: {  	s3 =	sadd.s32 s3, s9;
	s6 =	sadd.s32 @!p0 $0x88, s6;
	s7 =	simm.s32 @p2 $0x1082  }
0x22: {  	[simem:s7], [sflag:s8] =	dma.local @!p0 [hbm:s6], $0xF7A  }
0x23: {  	s9 =	sor.u32 $0xD0000000, s2;
	s6 =	simm.s32 $0x108;
	_ =	swait.ge @!p0 [sflag:s8], $0x0  }
0x24: {  	s3 =	sadd.s32 $0x88, s3;
	s6 =	simm.s32 @!p1 $0x1082;
	[sflag:s4] =	ssyncset.s32 $0xFFFFF086  }
0x25: {  	[simem:s6], [sflag:s4] =	dma.local [hbm:s3], $0xF7A  }
0x26: {  	[smem:$0x3F9F] =	sst s1;
	(tag) =	ssettag s2;
	_ =	strace s9  }
0x27: {  	s1 =	sld [smem:$0x3FAF]  }
0x28: {  	s2 =	sld [smem:$0x3FB0]  }
0x29: {  	s4 =	sld [smem:$0x3FB2]  }
0x2a: {  	p0 =	seq.s32 s5, $0x0;
	s5 =	sld [smem:$0x3FB3]  }
0x2b: {  	s6 =	sld [smem:$0x3FB4]  }
0x2c: {  	s7 =	sld [smem:$0x3FB5]  }
0x2d: {  	s3 =	simm.s32 $0x108;
	s8 =	sld [smem:$0x3FB6]  }
0x2e: {  	s3 =	simm.s32 @!p0 $0x1082;
	s9 =	sld [smem:$0x3FB7]  }
0x2f: {  	lr =	sadd.s32 s0, s3;
	s0 =	sld [smem:$0x3FAE]  }
0x30: {  	s3 =	sld [smem:$0x3FB1]  }
0x31: {  	[smem:$0x3FBA] =	sst s10  }
0x32: {  	s10 =	sld [smem:$0x3FB8];
	_ =	sdelay $0x3  }
0x33: {  	p0 =	seq.s32 s10, $0x1;
	s10 =	sld [smem:$0x3FBA];
	_ =	sdelay $0x3  }
0x34: {  	[smem:$0x3FBA] =	sst s10  }
0x35: {  	s10 =	sld [smem:$0x3FB9];
	_ =	sdelay $0x3  }
0x36: {  	p1 =	seq.s32 s10, $0x1;
	s10 =	sld [smem:$0x3FBA];
	_ =	sdelay $0x3  }
0x37: {  	[smem:$0x3FBA] =	sst s10  }
0x38: {  	s10 =	sld [smem:$0x3FBB]  }
0x39: {  	_ = 	snop;
	(pc) =	sbr.ind lr, $3  }
0x3a: {  	_ = 	snop  }
0x3b: {  	_ = 	snop  }
0x3c: {  	p2 =	seq.s32 s10, $0x1;
	s10 =	sld [smem:$0x3FBA]  }
0x3d: {  	_ =	shalt  }
0x3e: {  	_ =	shalt  }
0x3f: {  	_ =	shalt  }
0x40: {  	_ =	shalt  }
0x41: {  	_ =	shalt  }
0x42: {  	_ =	shalt  }
0x43: {  	_ =	shalt  }
0x44: {  	_ =	shalt  }
0x45: {  	_ =	shalt  }
0x46: {  	_ =	shalt  }
0x47: {  	_ =	shalt  }
0x48: {  	_ =	shalt  }
0x49: {  	_ =	shalt  }
0x4a: {  	_ =	shalt  }
0x4b: {  	_ =	shalt  }
0x4c: {  	_ =	shalt  }
0x4d: {  	_ =	shalt  }
0x4e: {  	_ =	shalt  }
0x4f: {  	_ =	shalt  }
0x50: {  	_ =	shalt  }
0x51: {  	_ =	shalt  }
0x52: {  	_ =	shalt  }
0x53: {  	_ =	shalt  }
0x54: {  	_ =	shalt  }
0x55: {  	_ =	shalt  }
0x56: {  	_ =	shalt  }
0x57: {  	_ =	shalt  }
0x58: {  	_ =	shalt  }
0x59: {  	_ =	shalt  }
0x5a: {  	_ =	shalt  }
0x5b: {  	_ =	shalt  }
0x5c: {  	_ =	shalt  }
0x5d: {  	_ =	shalt  }
0x5e: {  	_ =	shalt  }
0x5f: {  	_ =	shalt  }
0x60: {  	_ =	shalt  }
0x61: {  	_ =	shalt  }
0x62: {  	_ =	shalt  }
0x63: {  	_ =	shalt  }
0x64: {  	_ =	shalt  }
0x65: {  	_ =	shalt  }
0x66: {  	_ =	shalt  }
0x67: {  	_ =	shalt  }
0x68: {  	_ =	shalt  }
0x69: {  	_ =	shalt  }
0x6a: {  	_ =	shalt  }
0x6b: {  	_ =	shalt  }
0x6c: {  	_ =	shalt  }
0x6d: {  	_ =	shalt  }
0x6e: {  	_ =	shalt  }
0x6f: {  	_ =	shalt  }
0x70: {  	_ =	shalt  }
0x71: {  	_ =	shalt  }
0x72: {  	_ =	shalt  }
0x73: {  	_ =	shalt  }
0x74: {  	_ =	shalt  }
0x75: {  	_ =	shalt  }
0x76: {  	_ =	shalt  }
0x77: {  	_ =	shalt  }
0x78: {  	_ =	shalt  }
0x79: {  	_ =	shalt  }
0x7a: {  	_ =	shalt  }
0x7b: {  	_ =	shalt  }
0x7c: {  	_ =	shalt  }
0x7d: {  	_ =	shalt  }
0x7e: {  	_ =	shalt  }
0x7f: {  	_ =	shalt  }
0x80: {  	_ =	shalt  }
0x81: {  	_ =	shalt  }
0x82: {  	_ =	shalt  }
0x83: {  	_ =	shalt  }
0x84: {  	_ =	shalt  }
0x85: {  	_ =	shalt  }
0x86: {  	_ =	shalt  }
0x87: {  	_ =	shalt  }
.Lfunc_end0:
.L_simem_size_0:
called_computation_lowered:
.L_overlay_start_0:
0x88: {  	s2 =	sld [smem:$0x3FD9]  }
0x89: {  	s3 =	sld [smem:$0x3FFE];
	_ =	sdelay $0x1  }
0x8a: {  	s1 =	srdreg.scid  }
0x8b: {  	s0 =	sand.u32 $0x1, s1  }
0x8c: {  	s17 =	sshll.u32 s0, $0xA;
	s2 =	sadd.s32 s3, s2  }
0x8d: {  	s2 =	sadd.s32 s2, s17  }
0x8e: {  	[smem:$0x3FC6] =	sst s2  }
0x8f: {  	_ = 	snop  }
0x90: {  	s2 =	sld [smem:$0x3FC8]  }
0x91: {  	s18 =	sld [smem:$0x3FD0];
	(tm) =	ssettm $0x1  }
0x92: {  	s4 =	sld [smem:$0x3FFB];
	_ =	sdelay $0x3  }
0x93: {  	_ =	strace s4  }
0x94: {  	s4 =	sld [smem:$0x3FFC];
	_ =	sdelay $0x3  }
0x95: {  	_ =	strace s4  }
0x96: {  	s4 =	sld [smem:$0x3FFD];
	_ =	sdelay $0x3  }
0x97: {  	_ =	strace s4  }
0x98: {  	_ =	strace $0x8FFFFFFF  }
0x99: {  	s19 =	sld [smem:$0x3FDB];
	_ =	sdelay $0x1  }
0x9a: {  	s5 =	simm.s32 $_scs_section_size  }
0x9b: {  	s6 =	simm.s32 $_size__tile_overlayer_lowered;
	s7 =	simm.s32 $_tile_overlayer_lowered  }
0x9c: {  	s22 =	simm.s32 $0x1BFF;
	s21 =	sshll.u32 s7, $0x1;
	s4 =	sadd.s32 s5, s19  }
0x9d: {  	s8 =	simm.s32 $0x0;
	s20 =	sshll.u32 s6, $0x1;
	s6 =	sadd.s32 s21, s4  }
0x9e: {  	[timem:s8], [sflag:s22] =	dma.local [hbm:s6], s20  }
0x9f: {  	_ =	swait.ge [sflag:s22], s20  }
0xa0: {  	s5 =	ssub.s32 $0x0, s20;
	[sflag:s22] =	ssyncset.done $0x0  }
0xa1: {  	[sflag:s22] =	ssyncadd.s32 s5;
	_ =	sdelay $0x1  }
0xa2: {  	s23 =	simm.s32 $0x1B8B  }
0xa3: {  	_ =	swait.ge [sflag:s23], $0x1  }
0xa4: {  	[sflag:s23] =	ssyncset.done $0x0  }
0xa5: {  	s25 =	simm.s32 $0x1B8E;
	s24 =	sld [smem:$0x3FFE];
	[sflag:s23] =	ssyncadd.s32 $0xFFFFFFFF  }
0xa6: {  	s26 =	simm.s32 $execute0_lowered;
	[smem:$0x3FD2] =	sst s25  }
0xa7: {  	s6 =	sshll.u32 s26, $0x1;
	_ =	strace $0x80000046;
	[dreg:$0x1] =	wrdreg $0xFFFFFFFF  }
0xa8: {  	s28 =	simm.s32 $_size_execute0_lowered;
	s4 =	sadd.s32 s4, s6;
	[dreg:$0x0] =	wrdreg $0x0  }
0xa9: {  	s6 =	sshll.u32 s28, $0x1;
	[dreg:$0x2] =	wrdreg s4  }
0xaa: {  	[dreg:$0x3] =	wrdreg s6  }
0xab: {  	[dreg:$0x4] =	wrdreg $0xC0  }
0xac: {  	_ =	task [dreg:s8], $0x5FFFF  }
0xad: {  	[dreg:$0x1] =	wrdreg $0xFFFFFFFF  }
0xae: {  	[dreg:$0x0] =	wrdreg $0x60  }
0xaf: {  	[dreg:$0x2] =	wrdreg s2  }
0xb0: {  	[dreg:$0x3] =	wrdreg s18  }
0xb1: {  	[dreg:$0x4] =	wrdreg s24  }
0xb2: {  	[dreg:$0x5] =	wrdreg $0x120000  }
0xb3: {  	[dreg:$0x6] =	wrdreg $0x9  }
0xb4: {  	_ =	task.clear_ibuf [dreg:s8], $0x7FFFF;
	_ =	strace $0x90000046  }
0xb5: {  	s29 =	simm.s32 $0x9;
	_ =	strace $0x80000048  }
0xb6: {  	_ =	swait.ge [sflag:s29], $0x1  }
0xb7: {  	[sflag:s29] =	ssyncadd.s32 $0xFFFFFFFF  }
0xb8: {  	_ =	strace $0x90000048  }
0xb9: {  	_ =	sfence  }
0xba: {  	s30 =	sld [smem:$0x0];
	_ =	sdelay $0x2  }
0xbb: {  	s31 =	sshll.u32 s1, $0xD;
	s1 =	sshrl.u32 s1, $0x2  }
0xbc: {  	s3 =	sand.u32 $0x4000, s31;
	s1 =	sadd.s32 s1, s30  }
0xbd: {  	s0 =	sor.u32 s3, s0;
	s1 =	sshll.u32 s1, $0x11  }
0xbe: {  	s0 =	sor.u32 s1, s0  }
0xbf: {  	s0 =	sadd.s32 $0x8F2B, s0  }
0xc0: {  	[sflag:s0] =	ssyncadd.remote.s32 $0x1  }
0xc1: {  	_ =	sfence.sel $0xFFFF  }
0xc2: {  	[dreg:$0x0] =	wrdreg $0xFFFFFFFF;
	(pc) =	sbr.abs _section_cstart, $3  }
0xc3: {  	[dreg:$0x1] =	wrdreg $0xFFFFFFFF  }
0xc4: {  	_ =	task.clear_ibuf [dreg:s8], $0x2FFFF;
	_ =	strace $0x9FFFFFFF  }
0xc5: {  	(tm) =	ssettm $0x7FFFFFFF  }
tec
execute0_lowered:
.L_overlay_start_1:
0x0: {  	(tag) =	ssettag $0x1  }
0x1: {  	s0 =	rddreg [dreg:$0x1]  }
0x2: {  	s1 =	rddreg [dreg:$0x2]  }
0x3: {  	s2 =	rddreg [dreg:$0x3];
	s3 =	simm.s32 $0x0  }
0x4: {  	s4 =	srdreg.scid;
	s6 =	stileid.u32;
	s12 =	simm.s32 $0x5C00  }
0x5: {  	s14 =	simm.s32 $0x7800;
	s16 =	simm.s32 $0x9400;
	s18 =	simm.s32 $0xB000  }
0x6: {  	s20 =	simm.s32 $0xCC00;
	s21 =	simm.s32 $0x300;
	s22 =	simm.s32 $0xE800  }
0x7: {  	s23 =	simm.s32 $0x380;
	s28 =	simm.s32 $0x3;
	s29 =	simm.s32 $0x4  }
0x8: {  	s30 =	simm.s32 $0x5;
	s31 =	simm.s32 $0x6;
	s11 =	simm.s32 $0x0  }
0x9: {  	[smem:$0x7FF] =	sst s3;
	s4 =	sand.u32 $0x1, s4;
	s5 =	smul.u32 $0x38000, s6  }
0xa: {  	s8 =	sshll.u32 s6, $0xC;
	p0 =	sne.s32 s6, $0x0;
	_ =	strace $0x80000047  }
0xb: {  	s7 =	ssub.s32 $0x2, s4;
	s9 =	sshll.u32 s4, $0xB;
	s10 =	smul.u32 $0x1C000, s4  }
0xc: {  	s1 =	sadd.s32 s5, s1;
	s24 =	sshrl.u32 s7, $0x1;
	s25 =	sor.u32 s9, s8  }
.Ltmp0:
0xd: {  	s8 =	simm.s32 $0x9;
	s9 =	simm.s32 $0x32;
	(pc) =	sbr.rel .LBB2_1-.Ltmp0, $4  }
0xe: {  	s7 =	ssub.s32 s7, s24;
	s4 =	sadd.s32 s0, s25;
	s26 =	sadd.s32 s10, s1  }
0xf: {  	s10 =	simm.s32 $0x4000;
	s24 =	simm.s32 $0x10400;
	s25 =	simm.s32 $0x1  }
0x10: {  	s0 =	simm.s32 $0x7;
	s1 =	simm.s32 $0x8;
	s5 =	smax.u32 s7, $0x1  }
0x11: {  	s15 =	sadd.s32 $0x400, s26;
	s7 =	sshrl.u32 @!p0 s2, $0x3;
	s26 =	simm.s32 $0x2  }
.LBB2_4:
0x12: {  	_ =	swait.ge [sflag:s30], $0x3200  }
0x13: {  	[sflag:s30] =	ssyncset.done $0x0  }
0x14: {  	[sflag:s30] =	ssyncadd.s32 $0xFFFFCE00  }
0x15: {  	_ =	swait.ge [sflag:s31], $0x3200  }
0x16: {  	[sflag:s31] =	ssyncset.done $0x0  }
0x17: {  	s11 =	sadd.s32 $0x1, s11;
	[sflag:s31] =	ssyncadd.s32 $0xFFFFCE00  }
0x18: {  	p1 =	sne.s32 s11, s5;
	_ =	swait.ge [sflag:s0], $0x3200  }
.Ltmp1:
0x19: {  	[sflag:s0] =	ssyncset.done $0x0;
	(pc) =	sbr.rel @!p1 .LBB2_5-.Ltmp1, $4  }
0x1a: {  	[sflag:s0] =	ssyncadd.s32 $0xFFFFCE00  }
0x1b: {  	_ =	swait.ge [sflag:s1], $0x3200  }
0x1c: {  	[sflag:s1] =	ssyncset.done $0x0  }
0x1d: {  	[sflag:s1] =	ssyncadd.s32 $0xFFFFCE00  }
.LBB2_1:
0x1e: {  	s6 =	simm.s32 @!p0 $0x1C09;
	s13 =	rddreg [dreg:$0x0]  }
0x1f: {  	[spmem:s7], [sflag:s6] =	dma.local @!p0 [hbm:s13], $0x16F0  }
0x20: {  	s6 =	simm.s32 @!p0 $0x9  }
0x21: {  	_ =	swait.ge @!p0 [sflag:s6], $0x16F0  }
0x22: {  	[sflag:s6] =	ssyncset.done @!p0 $0x0  }
0x23: {  	[sflag:s6] =	ssyncadd.s32 @!p0 $0xFFFFE910  }
0x24: {  	[bflag:$0x0] =	sbarrier.arrive $0xFFFF  }
0x25: {  	[tilespmem:s3], [sflag:$0x9] =	stream.linear.gather [hbm4b:s4+s3], $0x4000, $0x38;
	[tilespmem:$0x12B78] =	vst v63  }
0x26: {  	_ =	swait.ge [sflag:s8], $0x4000  }
0x27: {  	[sflag:s8] =	ssyncset.done $0x0  }
0x28: {  	[sflag:s8] =	ssyncadd.s32 $0xFFFFC000  }
0x29: {  	[tilespmem:s10], [sflag:$0x1] =	stream.indirect.gather [spmem:s2], $0x80, s3, s9, $0xb8;
	[tilespmem:$0x12B78] =	vst v63  }
0x2a: {  	s17 =	simm.s32 $0x80  }
0x2b: {  	[tilespmem:s12], [sflag:$0x1] =	stream.indirect.gather [spmem:s2], $0x80, s17, s9, $0xb8;
	[tilespmem:$0x12B78] =	vst v63  }
0x2c: {  	s19 =	simm.s32 $0x100  }
0x2d: {  	[tilespmem:s14], [sflag:$0x2] =	stream.indirect.gather [spmem:s2], $0x80, s19, s9, $0xb8;
	[tilespmem:$0x12B78] =	vst v63  }
0x2e: {  	s13 =	simm.s32 $0x180  }
0x2f: {  	[tilespmem:s16], [sflag:$0x2] =	stream.indirect.gather [spmem:s2], $0x80, s13, s9, $0xb8;
	[tilespmem:$0x12B78] =	vst v63  }
0x30: {  	s17 =	simm.s32 $0x200  }
0x31: {  	[tilespmem:s18], [sflag:$0x3] =	stream.indirect.gather [spmem:s2], $0x80, s17, s9, $0xb8;
	[tilespmem:$0x12B78] =	vst v63  }
0x32: {  	s19 =	simm.s32 $0x280  }
0x33: {  	[tilespmem:s20], [sflag:$0x3] =	stream.indirect.gather [spmem:s2], $0x80, s19, s9, $0xb8;
	[tilespmem:$0x12B78] =	vst v63  }
0x34: {  	_ = 	snop  }
0x35: {  	[tilespmem:s22], [sflag:$0x4] =	stream.indirect.gather [spmem:s2], $0x80, s21, s9, $0xb8;
	[tilespmem:$0x12B78] =	vst v63  }
0x36: {  	s6 =	smov.u32 s15;
	s13 =	simm.s32 $0x0  }
0x37: {  	[tilespmem:s24], [sflag:$0x4] =	stream.indirect.gather [spmem:s2], $0x80, s23, s9, $0xb8;
	[tilespmem:$0x12B78] =	vst v63  }
.LBB2_2:
0x38: {  	_ =	swait.ge [sflag:s25], $0x1900  }
0x39: {  	[sflag:s25] =	ssyncset.done $0x0  }
0x3a: {  	[sflag:s25] =	ssyncadd.s32 $0xFFFFE700  }
0x3b: {  	_ =	swait.ge [sflag:s25], $0x1900  }
0x3c: {  	[sflag:s25] =	ssyncset.done $0x0  }
0x3d: {  	[sflag:s25] =	ssyncadd.s32 $0xFFFFE700  }
0x3e: {  	[hbm4b:s6+s3] =	stream.linear.scatter [tilespmem:s10], [sflag:$0x5], $0x1900, $0x38;
	[tilespmem:$0x12B78] =	vst v63  }
0x3f: {  	s17 =	sadd.s32 $0x380, s6  }
0x40: {  	[hbm4b:s17+s3] =	stream.linear.scatter [tilespmem:s12], [sflag:$0x5], $0x1900, $0x38;
	[tilespmem:$0x12B78] =	vst v63  }
0x41: {  	_ =	swait.ge [sflag:s26], $0x1900  }
0x42: {  	[sflag:s26] =	ssyncset.done $0x0  }
0x43: {  	[sflag:s26] =	ssyncadd.s32 $0xFFFFE700  }
0x44: {  	_ =	swait.ge [sflag:s26], $0x1900  }
0x45: {  	[sflag:s26] =	ssyncset.done $0x0  }
0x46: {  	s19 =	sadd.s32 $0x700, s6;
	[sflag:s26] =	ssyncadd.s32 $0xFFFFE700  }
0x47: {  	[hbm4b:s19+s3] =	stream.linear.scatter [tilespmem:s14], [sflag:$0x6], $0x1900, $0x38;
	[tilespmem:$0x12B78] =	vst v63  }
0x48: {  	s19 =	sadd.s32 $0xA80, s6  }
0x49: {  	[hbm4b:s19+s3] =	stream.linear.scatter [tilespmem:s16], [sflag:$0x6], $0x1900, $0x38;
	[tilespmem:$0x12B78] =	vst v63  }
0x4a: {  	_ =	swait.ge [sflag:s28], $0x1900  }
0x4b: {  	[sflag:s28] =	ssyncset.done $0x0  }
0x4c: {  	[sflag:s28] =	ssyncadd.s32 $0xFFFFE700  }
0x4d: {  	_ =	swait.ge [sflag:s28], $0x1900  }
0x4e: {  	[sflag:s28] =	ssyncset.done $0x0  }
0x4f: {  	s19 =	sadd.s32 $0xE00, s6;
	[sflag:s28] =	ssyncadd.s32 $0xFFFFE700  }
0x50: {  	[hbm4b:s19+s3] =	stream.linear.scatter [tilespmem:s18], [sflag:$0x7], $0x1900, $0x38;
	[tilespmem:$0x12B78] =	vst v63  }
0x51: {  	s19 =	sadd.s32 $0x1180, s6  }
0x52: {  	[hbm4b:s19+s3] =	stream.linear.scatter [tilespmem:s20], [sflag:$0x7], $0x1900, $0x38;
	[tilespmem:$0x12B78] =	vst v63  }
0x53: {  	_ =	swait.ge [sflag:s29], $0x1900  }
0x54: {  	[sflag:s29] =	ssyncset.done $0x0  }
0x55: {  	[sflag:s29] =	ssyncadd.s32 $0xFFFFE700  }
0x56: {  	p1 =	seq.s32 s13, $0xF000;
	_ =	swait.ge [sflag:s29], $0x1900  }
.Ltmp2:
0x57: {  	[sflag:s29] =	ssyncset.done $0x0;
	(pc) =	sbr.rel @p1 .LBB2_4-.Ltmp2, $4  }
0x58: {  	s19 =	sadd.s32 $0x1500, s6;
	[sflag:s29] =	ssyncadd.s32 $0xFFFFE700  }
0x59: {  	[hbm4b:s19+s3] =	stream.linear.scatter [tilespmem:s22], [sflag:$0x8], $0x1900, $0x38;
	[tilespmem:$0x12B78] =	vst v63  }
0x5a: {  	s19 =	sadd.s32 $0x1880, s6  }
0x5b: {  	[hbm4b:s19+s3] =	stream.linear.scatter [tilespmem:s24], [sflag:$0x8], $0x1900, $0x38;
	[tilespmem:$0x12B78] =	vst v63  }
0x5c: {  	_ =	swait.ge [sflag:s30], $0x3200  }
0x5d: {  	s17 =	sshra.s32 s13, $0x2;
	[sflag:s30] =	ssyncset.done $0x0  }
0x5e: {  	s19 =	sadd.s32 $0x400, s17;
	[sflag:s30] =	ssyncadd.s32 $0xFFFFCE00  }
0x5f: {  	[tilespmem:s10], [sflag:$0x1] =	stream.indirect.gather [spmem:s2], $0x80, s19, s9, $0xb8;
	[tilespmem:$0x12B78] =	vst v63  }
0x60: {  	s19 =	sadd.s32 $0x480, s17  }
0x61: {  	[tilespmem:s12], [sflag:$0x1] =	stream.indirect.gather [spmem:s2], $0x80, s19, s9, $0xb8;
	[tilespmem:$0x12B78] =	vst v63  }
0x62: {  	_ =	swait.ge [sflag:s31], $0x3200  }
0x63: {  	[sflag:s31] =	ssyncset.done $0x0  }
0x64: {  	s19 =	sadd.s32 $0x500, s17;
	[sflag:s31] =	ssyncadd.s32 $0xFFFFCE00  }
0x65: {  	[tilespmem:s14], [sflag:$0x2] =	stream.indirect.gather [spmem:s2], $0x80, s19, s9, $0xb8;
	[tilespmem:$0x12B78] =	vst v63  }
0x66: {  	s19 =	sadd.s32 $0x580, s17  }
0x67: {  	[tilespmem:s16], [sflag:$0x2] =	stream.indirect.gather [spmem:s2], $0x80, s19, s9, $0xb8;
	[tilespmem:$0x12B78] =	vst v63  }
0x68: {  	_ =	swait.ge [sflag:s0], $0x3200  }
0x69: {  	[sflag:s0] =	ssyncset.done $0x0  }
0x6a: {  	s19 =	sadd.s32 $0x600, s17;
	[sflag:s0] =	ssyncadd.s32 $0xFFFFCE00  }
0x6b: {  	[tilespmem:s18], [sflag:$0x3] =	stream.indirect.gather [spmem:s2], $0x80, s19, s9, $0xb8;
	[tilespmem:$0x12B78] =	vst v63  }
0x6c: {  	s19 =	sadd.s32 $0x680, s17  }
0x6d: {  	[tilespmem:s20], [sflag:$0x3] =	stream.indirect.gather [spmem:s2], $0x80, s19, s9, $0xb8;
	[tilespmem:$0x12B78] =	vst v63  }
0x6e: {  	_ =	swait.ge [sflag:s1], $0x3200  }
.Ltmp3:
0x6f: {  	[sflag:s1] =	ssyncset.done $0x0;
	(pc) =	sbr.rel .LBB2_2-.Ltmp3, $4  }
0x70: {  	s19 =	sadd.s32 $0x700, s17;
	[sflag:s1] =	ssyncadd.s32 $0xFFFFCE00  }
0x71: {  	[tilespmem:s22], [sflag:$0x4] =	stream.indirect.gather [spmem:s2], $0x80, s19, s9, $0xb8;
	[tilespmem:$0x12B78] =	vst v63  }
0x72: {  	s6 =	sadd.s32 $0x1C00, s6;
	s13 =	sadd.s32 $0x1000, s13;
	s17 =	sadd.s32 $0x780, s17  }
0x73: {  	[tilespmem:s24], [sflag:$0x4] =	stream.indirect.gather [spmem:s2], $0x80, s17, s9, $0xb8;
	[tilespmem:$0x12B78] =	vst v63  }
.LBB2_5:
0x74: {  	_ =	sfence.sel $0x180000  }
0x75: {  	[bflag:$0x0] =	sbarrier.arrive $0xFFFF  }
0x76: {  	_ =	strace $0x90000047  }
0x77: {  	[bflag:$0x2] =	sbarrier.arrive $0xFFFF  }
0x78: {  	s0 =	rddreg [dreg:$0x4]  }
0x79: {  	s0 =	sadd.s32 @!p0 $0x100000, s0  }
0x7a: {  	[sflag:s0] =	ssyncadd.tile.s32 @!p0 $0x1;
	_ =	shalt  }
.Lfunc_end2:
_tile_overlayer_lowered:
.L_overlay_start_2:
0x7b: {  	(tag) =	ssettag $0x2  }
0x7c: {  	s0 =	rddreg [dreg:$0x0];
	s2 =	stileid.u32  }
0x7d: {  	s1 =	rddreg [dreg:$0x1];
	p0 =	sne.s32 s2, $0x0  }
0x7e: {  	s3 =	rddreg [dreg:$0x2];
	[bflag:$0x3] =	sbarrier.arrive $0xFFFF;
	s2 =	simm.s32 @!p0 $0x1C09  }
0x7f: {  	[timem:s3], [sflag:s2] =	dma.local @!p0 [hbm:s0], s1  }
0x80: {  	s0 =	simm.s32 @!p0 $0x9  }
0x81: {  	_ =	swait.ge @!p0 [sflag:s0], s1  }
0x82: {  	s1 =	ssub.s32 @!p0 $0x0, s1;
	[sflag:s0] =	ssyncset.done @!p0 $0x0  }
0x83: {  	[sflag:s0] =	ssyncadd.s32 @!p0 s1  }
0x84: {  	[bflag:$0x3] =	sbarrier.arrive $0xFFFF  }
0x85: {  	_ =	shalt  }

</sc_bundles>
